<compile_context>
chip_gen: v7x
topology: tpu7x:2x2x1
jax: 0.10.2.dev20260603
libtpu: 0.0.44.dev20260713+nightly
codegen_flags: <defaults>
</compile_context>

<pallas_src>
import functools

import jax
import jax.numpy as jnp
from jax import lax
from jax.experimental import pallas as pl
from jax.experimental.pallas import tpu as pltpu
from jax.experimental.pallas import tpu_sc as plsc

NC = 2
NS = 16
NW = NC * NS
C = 128


def _deg_kernel(n_pad, kc):
    zb = n_pad // NS
    mesh = plsc.VectorSubcoreMesh(core_axis_name="c", subcore_axis_name="s")

    @functools.partial(
        pl.kernel,
        out_type=jax.ShapeDtypeStruct((NC, n_pad), jnp.float32),
        mesh=mesh,
        scratch_types=[
            pltpu.VMEM((kc, C), jnp.int32),
            pltpu.VMEM((C,), jnp.float32),
            pltpu.VMEM((zb,), jnp.float32),
            pltpu.VMEM_SHARED((n_pad,), jnp.float32),
        ],
    )
    def deg_kernel(dst_hbm, degp_hbm, dst_v, ones_v, zeros_v, deg_sh):
        c = lax.axis_index("c")
        s = lax.axis_index("s")
        wid = c * NS + s
        pltpu.sync_copy(dst_hbm.at[wid], dst_v)

        for i in range(C // 16):
            ones_v[pl.ds(i * 16, 16)] = jnp.ones((16,), jnp.float32)

        def zfill(j, _):
            zeros_v[pl.ds(j * 16, 16)] = jnp.zeros((16,), jnp.float32)
            return 0

        lax.fori_loop(0, zb // 16, zfill, 0)
        pltpu.sync_copy(zeros_v, deg_sh.at[pl.ds(s * zb, zb)])
        plsc.subcore_barrier()

        def step(j, _):
            pltpu.sync_copy(ones_v, deg_sh.at[dst_v.at[j]], add=True)
            return 0

        lax.fori_loop(0, kc, step, 0)
        plsc.subcore_barrier()
        pltpu.sync_copy(deg_sh.at[pl.ds(s * zb, zb)],
                        degp_hbm.at[c, pl.ds(s * zb, zb)])

    return deg_kernel


def _scatter_kernel(n_pad, dh, kc):
    zrows = n_pad // NS
    zc = 80
    mesh = plsc.VectorSubcoreMesh(core_axis_name="c", subcore_axis_name="s")

    @functools.partial(
        pl.kernel,
        out_type=jax.ShapeDtypeStruct((NC, n_pad, dh), jnp.bfloat16),
        mesh=mesh,
        compiler_params=pltpu.CompilerParams(use_tc_tiling_on_sc=False),
        scratch_types=[
            pltpu.VMEM((kc, C), jnp.int32),
            pltpu.VMEM((kc, C), jnp.int32),
            pltpu.VMEM((C, dh), jnp.bfloat16),
            pltpu.VMEM((C, dh), jnp.bfloat16),
            pltpu.VMEM((zc, dh), jnp.bfloat16),
            pltpu.VMEM_SHARED((n_pad, dh), jnp.bfloat16),
            pltpu.SemaphoreType.DMA,
            pltpu.SemaphoreType.DMA,
            pltpu.SemaphoreType.DMA,
            pltpu.SemaphoreType.DMA,
        ],
    )
    def scatter_kernel(h2a_hbm, h2b_hbm, src_hbm, dst_hbm, outp_hbm,
                       src_v, dst_v, rows_a, rows_b, zrows_v, out_sh,
                       gs_a, gs_b, ss_a, ss_b):
        c = lax.axis_index("c")
        s = lax.axis_index("s")
        pltpu.sync_copy(src_hbm.at[s], src_v)
        pltpu.sync_copy(dst_hbm.at[s], dst_v)

        def zfill(r, _):
            for k in range(dh // 32):
                zrows_v[r, pl.ds(k * 32, 32)] = jnp.zeros((32,), jnp.bfloat16)
            return 0

        lax.fori_loop(0, zc, zfill, 0)
        base = s * zrows
        for t in range(zrows // zc):
            pltpu.sync_copy(zrows_v, out_sh.at[pl.ds(base + t * zc, zc)])
        plsc.subcore_barrier()

        def edge_loop(h2_hbm):
            pltpu.async_copy(h2_hbm.at[src_v.at[0]], rows_a, gs_a)

            def step(g, _):
                j = 2 * g
                pltpu.make_async_copy(
                    h2_hbm.at[src_v.at[j]], rows_a, gs_a).wait()

                @pl.when(g > 0)
                def _():
                    pltpu.make_async_copy(
                        rows_b, out_sh.at[dst_v.at[j - 1]], ss_b).wait()

                gb = pltpu.async_copy(h2_hbm.at[src_v.at[j + 1]], rows_b, gs_b)
                sa = pltpu.async_copy(rows_a, out_sh.at[dst_v.at[j]], ss_a,
                                      add=True)
                gb.wait()
                sa.wait()

                @pl.when(j + 2 < kc)
                def _():
                    pltpu.async_copy(h2_hbm.at[src_v.at[j + 2]], rows_a, gs_a)

                pltpu.async_copy(rows_b, out_sh.at[dst_v.at[j + 1]], ss_b,
                                 add=True)
                return 0

            lax.fori_loop(0, kc // 2, step, 0)
            pltpu.make_async_copy(
                rows_b, out_sh.at[dst_v.at[kc - 1]], ss_b).wait()

        @pl.when(c == 0)
        def _():
            edge_loop(h2a_hbm)

        @pl.when(c == 1)
        def _():
            edge_loop(h2b_hbm)

        plsc.subcore_barrier()
        pltpu.sync_copy(out_sh.at[pl.ds(base, zrows)],
                        outp_hbm.at[c, pl.ds(base, zrows)])

    return scatter_kernel


def _h2_body(x_ref, w_ref, b_ref, degp_ref, h2a_ref, h2b_ref, dinv_ref):
    deg = jnp.sum(degp_ref[...], axis=1, keepdims=True) + 1.0
    dinv = lax.rsqrt(deg)
    h = jnp.dot(x_ref[...], w_ref[...], preferred_element_type=jnp.float32)
    h2 = (h + b_ref[...]) * dinv
    dh = h2.shape[1] // 2
    h2a_ref[...] = h2[:, :dh].astype(jnp.bfloat16)
    h2b_ref[...] = h2[:, dh:].astype(jnp.bfloat16)
    dinv_ref[...] = dinv


def _final_body(outp_ref, h2a_ref, h2b_ref, dinv_ref, out_ref):
    dinv = dinv_ref[...]
    dh = h2a_ref.shape[1]
    for i, h2r in enumerate([h2a_ref, h2b_ref]):
        acc = outp_ref[i, :, :].astype(jnp.float32)
        out_ref[:, i * dh:(i + 1) * dh] = jnp.maximum(
            dinv * (acc + h2r[...].astype(jnp.float32)), 0.0)


def kernel(x, edge_index, W, b):
    n, d = x.shape
    e = edge_index.shape[1]
    dh = d // NC

    n_pad = ((n + NS * 16 - 1) // (NS * 16)) * (NS * 16)
    e_pad = ((e + NW * C - 1) // (NW * C)) * (NW * C)
    kc = e_pad // (NS * C)
    kcd = e_pad // (NW * C)

    src = edge_index[0]
    dst = edge_index[1]
    if e_pad != e:
        src = jnp.concatenate([src, jnp.zeros((e_pad - e,), jnp.int32)])
        dst = jnp.concatenate(
            [dst, jnp.full((e_pad - e,), n_pad - 1, jnp.int32)])
    src_r = src.reshape(NS, kc, C)
    dst_r = dst.reshape(NS, kc, C)
    dst_rd = dst.reshape(NW, kcd, C)

    x_pad = jnp.pad(x, ((0, n_pad - n), (0, 0))) if n_pad != n else x

    degp = _deg_kernel(n_pad, kcd)(dst_rd)
    degp_t = degp.T

    h2a, h2b, dinv = pl.pallas_call(
        _h2_body,
        out_shape=[
            jax.ShapeDtypeStruct((n_pad, dh), jnp.bfloat16),
            jax.ShapeDtypeStruct((n_pad, dh), jnp.bfloat16),
            jax.ShapeDtypeStruct((n_pad, 1), jnp.float32),
        ],
    )(x_pad, W, b.reshape(1, d), degp_t)

    outp = _scatter_kernel(n_pad, dh, kc)(h2a, h2b, src_r, dst_r)

    out = pl.pallas_call(
        _final_body,
        out_shape=jax.ShapeDtypeStruct((n_pad, d), jnp.float32),
    )(outp, h2a, h2b, dinv)
    return out[:n]

# --- scband reference (transcript-rebuilt; emitter-appended) ---
"""Pipeline reference for scband-gnnconv-35751307772278 (READ-ONLY COPY).

The authoritative reference and input builder live on the scoring server;
editing this copy changes nothing except your own understanding.
"""

import jax, jax.numpy as jnp
import numpy as np

N = 10000
E = 320000
D = 128

def setup_inputs(seed: int = 0) -> dict:
    key = jax.random.key(seed)
    k1, k2, k3 = jax.random.split(key, 3)
    x = jax.random.normal(k1, (N, D), dtype=jnp.float32)
    edge_index = jax.random.randint(k2, (2, E), 0, N, dtype=jnp.int32)
    W = jax.random.normal(k3, (D, D), dtype=jnp.float32) * (1.0 / np.sqrt(D))
    b = jnp.zeros((D,), dtype=jnp.float32)
    return {"x": x, "edge_index": edge_index, "W": W, "b": b}

def reference(x, edge_index, W, b):
    # GCNConv with symmetric normalization + self-loops, then ReLU activation.
    # norm_type='none' -> identity; dropout in eval mode -> identity.
    n = x.shape[0]
    loop = jnp.arange(n, dtype=edge_index.dtype)
    src = jnp.concatenate([edge_index[0], loop])
    dst = jnp.concatenate([edge_index[1], loop])
    # degree (with self-loops) and D^{-1/2} normalization
    deg = jnp.zeros((n,), dtype=jnp.float32).at[dst].add(1.0)
    dinv = jax.lax.rsqrt(deg)
    norm = dinv[src] * dinv[dst]
    # linear transform
    h = x @ W + b
    # gather messages from source nodes, scale, scatter-add to destination nodes
    msgs = jnp.take(h, src, axis=0) * norm[:, None]
    out = jnp.zeros_like(h).at[dst].add(msgs)
    # activation (relu); normalization is identity; dropout identity at eval
    out = jax.nn.relu(out)
    return out

if __name__ == "__main__":
    import jax
    _d = setup_inputs()
    print(jax.jit(kernel)(*tuple(_d.values())))

</pallas_src>

<mosaic_0001>
#map = affine_map<(d0, d1) -> (0, 0, 0)>
#map1 = affine_map<(d0, d1) -> (0, 0)>
module attributes {stable_mosaic.version = 14 : i64} {
  func.func @deg_kernel(%arg0: i32, %arg1: i32, %arg2: memref<32x79x128xi32, #tpu.memory_space<hbm>>, %arg3: memref<2x10240xf32, #tpu.memory_space<hbm>>, %arg4: memref<79x128xi32, #tpu.memory_space<vmem>>, %arg5: memref<128xf32, #tpu.memory_space<vmem>>, %arg6: memref<640xf32, #tpu.memory_space<vmem>>, %arg7: memref<10240xf32, #tpu.memory_space<vmem_shared>>) attributes {dimension_semantics = [#tpu.dimension_semantics<core_parallel>, #tpu.dimension_semantics<subcore_parallel>], iteration_bounds = array<i64: 2, 16>, scalar_prefetch = 0 : i64, scratch_operands = 4 : i64, tpu.core_type = #tpu.core_type<sc_vector_subcore>, window_params = [{transform_indices = #map}, {transform_indices = #map1}]} {
    %mul3A = arith.constant 16 : i32
    %mul3A_0 = arith.muli %arg0, %mul3A : i32
    %add3A = arith.addi %mul3A_0, %arg1 : i32
    "tpu.region"() ({
      %run_scoped3A = tpu.sem_alloc : memref<!tpu.dma_semaphore, #tpu.memory_space<semaphore_mem>>
      %dma_start3A = arith.constant 0 : i32
      %dma_start3A_67 = arith.constant 0 : i32
      %dma_start3A_68 = tpu.memref_slice %arg2[%add3A, %dma_start3A, %dma_start3A_67] : memref<32x79x128xi32, #tpu.memory_space<hbm>> -> memref<1x79x128xi32, #tpu.memory_space<hbm>>
      %dma_start3A_69 = tpu.memref_squeeze %dma_start3A_68 : memref<1x79x128xi32, #tpu.memory_space<hbm>> -> memref<79x128xi32, #tpu.memory_space<hbm>>
      %dma_start3A_70 = arith.constant 0 : i32
      %dma_start3A_71 = arith.constant 0 : i32
      %dma_start3A_72 = tpu.memref_slice %arg2[%add3A, %dma_start3A_70, %dma_start3A_71] : memref<32x79x128xi32, #tpu.memory_space<hbm>> -> memref<1x79x128xi32, #tpu.memory_space<hbm>>
      %dma_start3A_73 = tpu.memref_squeeze %dma_start3A_72 : memref<1x79x128xi32, #tpu.memory_space<hbm>> -> memref<79x128xi32, #tpu.memory_space<hbm>>
      tpu.enqueue_dma source(%dma_start3A_73 : memref<79x128xi32, #tpu.memory_space<hbm>>) target(%arg4 : memref<79x128xi32, #tpu.memory_space<vmem>>) target_semaphore(%run_scoped3A : memref<!tpu.dma_semaphore, #tpu.memory_space<semaphore_mem>>)
      %dma_wait3A = arith.constant 0 : i32
      %dma_wait3A_74 = arith.constant 0 : i32
      %dma_wait3A_75 = tpu.memref_slice %arg2[%add3A, %dma_wait3A, %dma_wait3A_74] : memref<32x79x128xi32, #tpu.memory_space<hbm>> -> memref<1x79x128xi32, #tpu.memory_space<hbm>>
      %dma_wait3A_76 = tpu.memref_squeeze %dma_wait3A_75 : memref<1x79x128xi32, #tpu.memory_space<hbm>> -> memref<79x128xi32, #tpu.memory_space<hbm>>
      %dma_wait3A_77 = arith.constant 0 : i32
      %dma_wait3A_78 = arith.constant 0 : i32
      %dma_wait3A_79 = tpu.memref_slice %arg2[%add3A, %dma_wait3A_77, %dma_wait3A_78] : memref<32x79x128xi32, #tpu.memory_space<hbm>> -> memref<1x79x128xi32, #tpu.memory_space<hbm>>
      %dma_wait3A_80 = tpu.memref_squeeze %dma_wait3A_79 : memref<1x79x128xi32, #tpu.memory_space<hbm>> -> memref<79x128xi32, #tpu.memory_space<hbm>>
      tpu.wait_dma2 semaphore(%run_scoped3A : memref<!tpu.dma_semaphore, #tpu.memory_space<semaphore_mem>>) src(%dma_wait3A_80 : memref<79x128xi32, #tpu.memory_space<hbm>>) dst(%arg4 : memref<79x128xi32, #tpu.memory_space<vmem>>)
      tpu.yield
    }) : () -> ()
    %broadcast_in_dim3A = arith.constant 1.000000e+00 : f32
    %broadcast_in_dim3A_1 = vector.broadcast %broadcast_in_dim3A : f32 to vector<16xf32>
    %swap3A = arith.constant 0 : index
    %swap3A_2 = tpu.vector_load %arg5[%swap3A] {strides = array<i32>} : memref<128xf32, #tpu.memory_space<vmem>>, vector<16xf32>,
    %swap3A_3 = vector.shape_cast %swap3A_2 : vector<16xf32> to vector<16xf32>
    %swap3A_4 = vector.shape_cast %broadcast_in_dim3A_1 : vector<16xf32> to vector<16xf32>
    tpu.vector_store %arg5[%swap3A], %swap3A_4 {strides = array<i32>} : memref<128xf32, #tpu.memory_space<vmem>>, vector<16xf32>,
    %broadcast_in_dim3A_5 = arith.constant 1.000000e+00 : f32
    %broadcast_in_dim3A_6 = vector.broadcast %broadcast_in_dim3A_5 : f32 to vector<16xf32>
    %swap3A_7 = arith.constant 16 : index
    %swap3A_8 = tpu.vector_load %arg5[%swap3A_7] {strides = array<i32>} : memref<128xf32, #tpu.memory_space<vmem>>, vector<16xf32>,
    %swap3A_9 = vector.shape_cast %swap3A_8 : vector<16xf32> to vector<16xf32>
    %swap3A_10 = vector.shape_cast %broadcast_in_dim3A_6 : vector<16xf32> to vector<16xf32>
    tpu.vector_store %arg5[%swap3A_7], %swap3A_10 {strides = array<i32>} : memref<128xf32, #tpu.memory_space<vmem>>, vector<16xf32>,
    %broadcast_in_dim3A_11 = arith.constant 1.000000e+00 : f32
    %broadcast_in_dim3A_12 = vector.broadcast %broadcast_in_dim3A_11 : f32 to vector<16xf32>
    %swap3A_13 = arith.constant 32 : index
    %swap3A_14 = tpu.vector_load %arg5[%swap3A_13] {strides = array<i32>} : memref<128xf32, #tpu.memory_space<vmem>>, vector<16xf32>,
    %swap3A_15 = vector.shape_cast %swap3A_14 : vector<16xf32> to vector<16xf32>
    %swap3A_16 = vector.shape_cast %broadcast_in_dim3A_12 : vector<16xf32> to vector<16xf32>
    tpu.vector_store %arg5[%swap3A_13], %swap3A_16 {strides = array<i32>} : memref<128xf32, #tpu.memory_space<vmem>>, vector<16xf32>,
    %broadcast_in_dim3A_17 = arith.constant 1.000000e+00 : f32
    %broadcast_in_dim3A_18 = vector.broadcast %broadcast_in_dim3A_17 : f32 to vector<16xf32>
    %swap3A_19 = arith.constant 48 : index
    %swap3A_20 = tpu.vector_load %arg5[%swap3A_19] {strides = array<i32>} : memref<128xf32, #tpu.memory_space<vmem>>, vector<16xf32>,
    %swap3A_21 = vector.shape_cast %swap3A_20 : vector<16xf32> to vector<16xf32>
    %swap3A_22 = vector.shape_cast %broadcast_in_dim3A_18 : vector<16xf32> to vector<16xf32>
    tpu.vector_store %arg5[%swap3A_19], %swap3A_22 {strides = array<i32>} : memref<128xf32, #tpu.memory_space<vmem>>, vector<16xf32>,
    %broadcast_in_dim3A_23 = arith.constant 1.000000e+00 : f32
    %broadcast_in_dim3A_24 = vector.broadcast %broadcast_in_dim3A_23 : f32 to vector<16xf32>
    %swap3A_25 = arith.constant 64 : index
    %swap3A_26 = tpu.vector_load %arg5[%swap3A_25] {strides = array<i32>} : memref<128xf32, #tpu.memory_space<vmem>>, vector<16xf32>,
    %swap3A_27 = vector.shape_cast %swap3A_26 : vector<16xf32> to vector<16xf32>
    %swap3A_28 = vector.shape_cast %broadcast_in_dim3A_24 : vector<16xf32> to vector<16xf32>
    tpu.vector_store %arg5[%swap3A_25], %swap3A_28 {strides = array<i32>} : memref<128xf32, #tpu.memory_space<vmem>>, vector<16xf32>,
    %broadcast_in_dim3A_29 = arith.constant 1.000000e+00 : f32
    %broadcast_in_dim3A_30 = vector.broadcast %broadcast_in_dim3A_29 : f32 to vector<16xf32>
    %swap3A_31 = arith.constant 80 : index
    %swap3A_32 = tpu.vector_load %arg5[%swap3A_31] {strides = array<i32>} : memref<128xf32, #tpu.memory_space<vmem>>, vector<16xf32>,
    %swap3A_33 = vector.shape_cast %swap3A_32 : vector<16xf32> to vector<16xf32>
    %swap3A_34 = vector.shape_cast %broadcast_in_dim3A_30 : vector<16xf32> to vector<16xf32>
    tpu.vector_store %arg5[%swap3A_31], %swap3A_34 {strides = array<i32>} : memref<128xf32, #tpu.memory_space<vmem>>, vector<16xf32>,
    %broadcast_in_dim3A_35 = arith.constant 1.000000e+00 : f32
    %broadcast_in_dim3A_36 = vector.broadcast %broadcast_in_dim3A_35 : f32 to vector<16xf32>
    %swap3A_37 = arith.constant 96 : index
    %swap3A_38 = tpu.vector_load %arg5[%swap3A_37] {strides = array<i32>} : memref<128xf32, #tpu.memory_space<vmem>>, vector<16xf32>,
    %swap3A_39 = vector.shape_cast %swap3A_38 : vector<16xf32> to vector<16xf32>
    %swap3A_40 = vector.shape_cast %broadcast_in_dim3A_36 : vector<16xf32> to vector<16xf32>
    tpu.vector_store %arg5[%swap3A_37], %swap3A_40 {strides = array<i32>} : memref<128xf32, #tpu.memory_space<vmem>>, vector<16xf32>,
    %broadcast_in_dim3A_41 = arith.constant 1.000000e+00 : f32
    %broadcast_in_dim3A_42 = vector.broadcast %broadcast_in_dim3A_41 : f32 to vector<16xf32>
    %swap3A_43 = arith.constant 112 : index
    %swap3A_44 = tpu.vector_load %arg5[%swap3A_43] {strides = array<i32>} : memref<128xf32, #tpu.memory_space<vmem>>, vector<16xf32>,
    %swap3A_45 = vector.shape_cast %swap3A_44 : vector<16xf32> to vector<16xf32>
    %swap3A_46 = vector.shape_cast %broadcast_in_dim3A_42 : vector<16xf32> to vector<16xf32>
    tpu.vector_store %arg5[%swap3A_43], %swap3A_46 {strides = array<i32>} : memref<128xf32, #tpu.memory_space<vmem>>, vector<16xf32>,
    %scan3A = arith.constant 0 : i32
    %scan3A_47 = arith.constant 0 : i32
    %scan3A_48 = arith.constant 40 : i32
    %scan3A_49 = arith.addi %scan3A_47, %scan3A_48 : i32
    %scan3A_50 = arith.constant 1 : i32
    %scan3A_51 = scf.for %scan3A_67 = %scan3A_47 to %scan3A_49 step %scan3A_50 iter_args(%scan3A_68 = %scan3A) -> (i32)  : i32 {
      %broadcast_in_dim3A_69 = arith.constant 0.000000e+00 : f32
      %broadcast_in_dim3A_70 = vector.broadcast %broadcast_in_dim3A_69 : f32 to vector<16xf32>
      %mul3A_71 = arith.constant 16 : i32
      %mul3A_72 = arith.muli %scan3A_67, %mul3A_71 : i32
      %swap3A_73 = arith.index_cast %mul3A_72 : i32 to index
      %swap3A_74 = tpu.vector_load %arg6[%swap3A_73] {strides = array<i32>} : memref<640xf32, #tpu.memory_space<vmem>>, vector<16xf32>,
      %swap3A_75 = vector.shape_cast %swap3A_74 : vector<16xf32> to vector<16xf32>
      %swap3A_76 = vector.shape_cast %broadcast_in_dim3A_70 : vector<16xf32> to vector<16xf32>
      tpu.vector_store %arg6[%swap3A_73], %swap3A_76 {strides = array<i32>} : memref<640xf32, #tpu.memory_space<vmem>>, vector<16xf32>,
      %scan3A_77 = arith.constant 0 : i32
      scf.yield %scan3A_77 : i32
    }
    %scan3A_52 = arith.constant 40 : i32
    %mul3A_53 = arith.constant 640 : i32
    %mul3A_54 = arith.muli %arg1, %mul3A_53 : i32
    "tpu.region"() ({
      %run_scoped3A = tpu.sem_alloc : memref<!tpu.dma_semaphore, #tpu.memory_space<semaphore_mem>>
      %dma_start3A = tpu.memref_slice %arg7[%mul3A_54] : memref<10240xf32, #tpu.memory_space<vmem_shared>> -> memref<640xf32, #tpu.memory_space<vmem_shared>>
      %dma_start3A_67 = tpu.memref_slice %arg7[%mul3A_54] : memref<10240xf32, #tpu.memory_space<vmem_shared>> -> memref<640xf32, #tpu.memory_space<vmem_shared>>
      tpu.enqueue_dma source(%arg6 : memref<640xf32, #tpu.memory_space<vmem>>) target(%dma_start3A_67 : memref<640xf32, #tpu.memory_space<vmem_shared>>) target_semaphore(%run_scoped3A : memref<!tpu.dma_semaphore, #tpu.memory_space<semaphore_mem>>)
      %dma_wait3A = tpu.memref_slice %arg7[%mul3A_54] : memref<10240xf32, #tpu.memory_space<vmem_shared>> -> memref<640xf32, #tpu.memory_space<vmem_shared>>
      %dma_wait3A_68 = tpu.memref_slice %arg7[%mul3A_54] : memref<10240xf32, #tpu.memory_space<vmem_shared>> -> memref<640xf32, #tpu.memory_space<vmem_shared>>
      tpu.wait_dma2 semaphore(%run_scoped3A : memref<!tpu.dma_semaphore, #tpu.memory_space<semaphore_mem>>) src(%arg6 : memref<640xf32, #tpu.memory_space<vmem>>) dst(%dma_wait3A_68 : memref<640xf32, #tpu.memory_space<vmem_shared>>)
      tpu.yield
    }) : () -> ()
    %barrier3A = arith.constant 0 : index
    tpu.barrier barrier_id(%barrier3A)
    %scan3A_55 = arith.constant 0 : i32
    %scan3A_56 = arith.constant 0 : i32
    %scan3A_57 = arith.constant 79 : i32
    %scan3A_58 = arith.addi %scan3A_56, %scan3A_57 : i32
    %scan3A_59 = arith.constant 1 : i32
    %scan3A_60 = scf.for %scan3A_67 = %scan3A_56 to %scan3A_58 step %scan3A_59 iter_args(%scan3A_68 = %scan3A_55) -> (i32)  : i32 {
      "tpu.region"() ({
        %run_scoped3A = tpu.sem_alloc : memref<!tpu.dma_semaphore, #tpu.memory_space<semaphore_mem>>
        %dma_start3A = arith.constant 0 : i32
        %dma_start3A_70 = tpu.memref_slice %arg4[%scan3A_67, %dma_start3A] : memref<79x128xi32, #tpu.memory_space<vmem>> -> memref<1x128xi32, #tpu.memory_space<vmem>>
        %dma_start3A_71 = tpu.memref_squeeze %dma_start3A_70 : memref<1x128xi32, #tpu.memory_space<vmem>> -> memref<128xi32, #tpu.memory_space<vmem>>
        %dma_start3A_72 = arith.constant 0 : i32
        %dma_start3A_73 = tpu.memref_slice %arg7[%dma_start3A_72] : memref<10240xf32, #tpu.memory_space<vmem_shared>> -> memref<10240xf32, #tpu.memory_space<vmem_shared>>
        tpu.enqueue_indirect_dma source(%arg5 : memref<128xf32, #tpu.memory_space<vmem>>) target(%dma_start3A_73 : memref<10240xf32, #tpu.memory_space<vmem_shared>>) offsets(%dma_start3A_71 : memref<128xi32, #tpu.memory_space<vmem>>) semaphore(%run_scoped3A : memref<!tpu.dma_semaphore, #tpu.memory_space<semaphore_mem>>) {add = true}
        %dma_wait3A = arith.constant 0 : i32
        %dma_wait3A_74 = tpu.memref_slice %arg4[%scan3A_67, %dma_wait3A] : memref<79x128xi32, #tpu.memory_space<vmem>> -> memref<1x128xi32, #tpu.memory_space<vmem>>
        %dma_wait3A_75 = tpu.memref_squeeze %dma_wait3A_74 : memref<1x128xi32, #tpu.memory_space<vmem>> -> memref<128xi32, #tpu.memory_space<vmem>>
        %dma_wait3A_76 = arith.constant 0 : i32
        %dma_wait3A_77 = tpu.memref_slice %arg7[%dma_wait3A_76] : memref<10240xf32, #tpu.memory_space<vmem_shared>> -> memref<10240xf32, #tpu.memory_space<vmem_shared>>
        tpu.wait_indirect_dma semaphore(%run_scoped3A : memref<!tpu.dma_semaphore, #tpu.memory_space<semaphore_mem>>) src(%arg5 : memref<128xf32, #tpu.memory_space<vmem>>) dst(%dma_wait3A_77 : memref<10240xf32, #tpu.memory_space<vmem_shared>>)
        tpu.yield
      }) : () -> ()
      %scan3A_69 = arith.constant 0 : i32
      scf.yield %scan3A_69 : i32
    }
    %scan3A_61 = arith.constant 79 : i32
    %barrier3A_62 = arith.constant 0 : index
    tpu.barrier barrier_id(%barrier3A_62)
    %mul3A_63 = arith.constant 640 : i32
    %mul3A_64 = arith.muli %arg1, %mul3A_63 : i32
    %mul3A_65 = arith.constant 640 : i32
    %mul3A_66 = arith.muli %arg1, %mul3A_65 : i32
    "tpu.region"() ({
      %run_scoped3A = tpu.sem_alloc : memref<!tpu.dma_semaphore, #tpu.memory_space<semaphore_mem>>
      %dma_start3A = tpu.memref_slice %arg3[%arg0, %mul3A_66] : memref<2x10240xf32, #tpu.memory_space<hbm>> -> memref<1x640xf32, #tpu.memory_space<hbm>>
      %dma_start3A_67 = tpu.memref_squeeze %dma_start3A : memref<1x640xf32, #tpu.memory_space<hbm>> -> memref<640xf32, #tpu.memory_space<hbm>>
      %dma_start3A_68 = tpu.memref_slice %arg7[%mul3A_64] : memref<10240xf32, #tpu.memory_space<vmem_shared>> -> memref<640xf32, #tpu.memory_space<vmem_shared>>
      tpu.enqueue_dma source(%dma_start3A_68 : memref<640xf32, #tpu.memory_space<vmem_shared>>) target(%dma_start3A_67 : memref<640xf32, #tpu.memory_space<hbm>>) target_semaphore(%run_scoped3A : memref<!tpu.dma_semaphore, #tpu.memory_space<semaphore_mem>>)
      %dma_wait3A = tpu.memref_slice %arg3[%arg0, %mul3A_66] : memref<2x10240xf32, #tpu.memory_space<hbm>> -> memref<1x640xf32, #tpu.memory_space<hbm>>
      %dma_wait3A_69 = tpu.memref_squeeze %dma_wait3A : memref<1x640xf32, #tpu.memory_space<hbm>> -> memref<640xf32, #tpu.memory_space<hbm>>
      %dma_wait3A_70 = tpu.memref_slice %arg7[%mul3A_64] : memref<10240xf32, #tpu.memory_space<vmem_shared>> -> memref<640xf32, #tpu.memory_space<vmem_shared>>
      tpu.wait_dma2 semaphore(%run_scoped3A : memref<!tpu.dma_semaphore, #tpu.memory_space<semaphore_mem>>) src(%dma_wait3A_70 : memref<640xf32, #tpu.memory_space<vmem_shared>>) dst(%dma_wait3A_69 : memref<640xf32, #tpu.memory_space<hbm>>)
      tpu.yield
    }) : () -> ()
    return
  }
}

#map = affine_map<(d0, d1) -> (0, 0)>
#map1 = affine_map<(d0, d1) -> (0, 0, 0)>
module attributes {stable_mosaic.version = 14 : i64} {
  func.func @scatter_kernel(%arg0: i32, %arg1: i32, %arg2: memref<10240x64xbf16, #tpu.memory_space<hbm>>, %arg3: memref<10240x64xbf16, #tpu.memory_space<hbm>>, %arg4: memref<16x158x128xi32, #tpu.memory_space<hbm>>, %arg5: memref<16x158x128xi32, #tpu.memory_space<hbm>>, %arg6: memref<2x10240x64xbf16, #tpu.memory_space<hbm>>, %arg7: memref<158x128xi32, #tpu.memory_space<vmem>>, %arg8: memref<158x128xi32, #tpu.memory_space<vmem>>, %arg9: memref<128x64xbf16, #tpu.memory_space<vmem>>, %arg10: memref<128x64xbf16, #tpu.memory_space<vmem>>, %arg11: memref<80x64xbf16, #tpu.memory_space<vmem>>, %arg12: memref<10240x64xbf16, #tpu.memory_space<vmem_shared>>, %arg13: memref<!tpu.dma_semaphore, #tpu.memory_space<semaphore_mem>>, %arg14: memref<!tpu.dma_semaphore, #tpu.memory_space<semaphore_mem>>, %arg15: memref<!tpu.dma_semaphore, #tpu.memory_space<semaphore_mem>>, %arg16: memref<!tpu.dma_semaphore, #tpu.memory_space<semaphore_mem>>) attributes {dimension_semantics = [#tpu.dimension_semantics<core_parallel>, #tpu.dimension_semantics<subcore_parallel>], iteration_bounds = array<i64: 2, 16>, scalar_prefetch = 0 : i64, scratch_operands = 10 : i64, tpu.core_type = #tpu.core_type<sc_vector_subcore>, window_params = [{transform_indices = #map}, {transform_indices = #map}, {transform_indices = #map1}, {transform_indices = #map1}, {transform_indices = #map1}]} {
    "tpu.region"() ({
      %run_scoped3A = tpu.sem_alloc : memref<!tpu.dma_semaphore, #tpu.memory_space<semaphore_mem>>
      %dma_start3A = arith.constant 0 : i32
      %dma_start3A_30 = arith.constant 0 : i32
      %dma_start3A_31 = tpu.memref_slice %arg4[%arg1, %dma_start3A, %dma_start3A_30] : memref<16x158x128xi32, #tpu.memory_space<hbm>> -> memref<1x158x128xi32, #tpu.memory_space<hbm>>
      %dma_start3A_32 = tpu.memref_squeeze %dma_start3A_31 : memref<1x158x128xi32, #tpu.memory_space<hbm>> -> memref<158x128xi32, #tpu.memory_space<hbm>>
      %dma_start3A_33 = arith.constant 0 : i32
      %dma_start3A_34 = arith.constant 0 : i32
      %dma_start3A_35 = tpu.memref_slice %arg4[%arg1, %dma_start3A_33, %dma_start3A_34] : memref<16x158x128xi32, #tpu.memory_space<hbm>> -> memref<1x158x128xi32, #tpu.memory_space<hbm>>
      %dma_start3A_36 = tpu.memref_squeeze %dma_start3A_35 : memref<1x158x128xi32, #tpu.memory_space<hbm>> -> memref<158x128xi32, #tpu.memory_space<hbm>>
      tpu.enqueue_dma source(%dma_start3A_36 : memref<158x128xi32, #tpu.memory_space<hbm>>) target(%arg7 : memref<158x128xi32, #tpu.memory_space<vmem>>) target_semaphore(%run_scoped3A : memref<!tpu.dma_semaphore, #tpu.memory_space<semaphore_mem>>)
      %dma_wait3A = arith.constant 0 : i32
      %dma_wait3A_37 = arith.constant 0 : i32
      %dma_wait3A_38 = tpu.memref_slice %arg4[%arg1, %dma_wait3A, %dma_wait3A_37] : memref<16x158x128xi32, #tpu.memory_space<hbm>> -> memref<1x158x128xi32, #tpu.memory_space<hbm>>
      %dma_wait3A_39 = tpu.memref_squeeze %dma_wait3A_38 : memref<1x158x128xi32, #tpu.memory_space<hbm>> -> memref<158x128xi32, #tpu.memory_space<hbm>>
      %dma_wait3A_40 = arith.constant 0 : i32
      %dma_wait3A_41 = arith.constant 0 : i32
      %dma_wait3A_42 = tpu.memref_slice %arg4[%arg1, %dma_wait3A_40, %dma_wait3A_41] : memref<16x158x128xi32, #tpu.memory_space<hbm>> -> memref<1x158x128xi32, #tpu.memory_space<hbm>>
      %dma_wait3A_43 = tpu.memref_squeeze %dma_wait3A_42 : memref<1x158x128xi32, #tpu.memory_space<hbm>> -> memref<158x128xi32, #tpu.memory_space<hbm>>
      tpu.wait_dma2 semaphore(%run_scoped3A : memref<!tpu.dma_semaphore, #tpu.memory_space<semaphore_mem>>) src(%dma_wait3A_43 : memref<158x128xi32, #tpu.memory_space<hbm>>) dst(%arg7 : memref<158x128xi32, #tpu.memory_space<vmem>>)
      tpu.yield
    }) : () -> ()
    "tpu.region"() ({
      %run_scoped3A = tpu.sem_alloc : memref<!tpu.dma_semaphore, #tpu.memory_space<semaphore_mem>>
      %dma_start3A = arith.constant 0 : i32
      %dma_start3A_30 = arith.constant 0 : i32
      %dma_start3A_31 = tpu.memref_slice %arg5[%arg1, %dma_start3A, %dma_start3A_30] : memref<16x158x128xi32, #tpu.memory_space<hbm>> -> memref<1x158x128xi32, #tpu.memory_space<hbm>>
      %dma_start3A_32 = tpu.memref_squeeze %dma_start3A_31 : memref<1x158x128xi32, #tpu.memory_space<hbm>> -> memref<158x128xi32, #tpu.memory_space<hbm>>
      %dma_start3A_33 = arith.constant 0 : i32
      %dma_start3A_34 = arith.constant 0 : i32
      %dma_start3A_35 = tpu.memref_slice %arg5[%arg1, %dma_start3A_33, %dma_start3A_34] : memref<16x158x128xi32, #tpu.memory_space<hbm>> -> memref<1x158x128xi32, #tpu.memory_space<hbm>>
      %dma_start3A_36 = tpu.memref_squeeze %dma_start3A_35 : memref<1x158x128xi32, #tpu.memory_space<hbm>> -> memref<158x128xi32, #tpu.memory_space<hbm>>
      tpu.enqueue_dma source(%dma_start3A_36 : memref<158x128xi32, #tpu.memory_space<hbm>>) target(%arg8 : memref<158x128xi32, #tpu.memory_space<vmem>>) target_semaphore(%run_scoped3A : memref<!tpu.dma_semaphore, #tpu.memory_space<semaphore_mem>>)
      %dma_wait3A = arith.constant 0 : i32
      %dma_wait3A_37 = arith.constant 0 : i32
      %dma_wait3A_38 = tpu.memref_slice %arg5[%arg1, %dma_wait3A, %dma_wait3A_37] : memref<16x158x128xi32, #tpu.memory_space<hbm>> -> memref<1x158x128xi32, #tpu.memory_space<hbm>>
      %dma_wait3A_39 = tpu.memref_squeeze %dma_wait3A_38 : memref<1x158x128xi32, #tpu.memory_space<hbm>> -> memref<158x128xi32, #tpu.memory_space<hbm>>
      %dma_wait3A_40 = arith.constant 0 : i32
      %dma_wait3A_41 = arith.constant 0 : i32
      %dma_wait3A_42 = tpu.memref_slice %arg5[%arg1, %dma_wait3A_40, %dma_wait3A_41] : memref<16x158x128xi32, #tpu.memory_space<hbm>> -> memref<1x158x128xi32, #tpu.memory_space<hbm>>
      %dma_wait3A_43 = tpu.memref_squeeze %dma_wait3A_42 : memref<1x158x128xi32, #tpu.memory_space<hbm>> -> memref<158x128xi32, #tpu.memory_space<hbm>>
      tpu.wait_dma2 semaphore(%run_scoped3A : memref<!tpu.dma_semaphore, #tpu.memory_space<semaphore_mem>>) src(%dma_wait3A_43 : memref<158x128xi32, #tpu.memory_space<hbm>>) dst(%arg8 : memref<158x128xi32, #tpu.memory_space<vmem>>)
      tpu.yield
    }) : () -> ()
    %scan3A = arith.constant 0 : i32
    %scan3A_0 = arith.constant 0 : i32
    %scan3A_1 = arith.constant 80 : i32
    %scan3A_2 = arith.addi %scan3A_0, %scan3A_1 : i32
    %scan3A_3 = arith.constant 1 : i32
    %scan3A_4 = scf.for %scan3A_30 = %scan3A_0 to %scan3A_2 step %scan3A_3 iter_args(%scan3A_31 = %scan3A) -> (i32)  : i32 {
      %broadcast_in_dim3A = arith.constant 0.000000e+00 : bf16
      %broadcast_in_dim3A_32 = vector.broadcast %broadcast_in_dim3A : bf16 to vector<32xbf16>
      %swap3A = arith.index_cast %scan3A_30 : i32 to index
      %swap3A_33 = arith.constant 0 : index
      %swap3A_34 = tpu.vector_load %arg11[%swap3A, %swap3A_33] {strides = array<i32>} : memref<80x64xbf16, #tpu.memory_space<vmem>>, vector<1x32xbf16>,
      %swap3A_35 = vector.shape_cast %swap3A_34 : vector<1x32xbf16> to vector<32xbf16>
      %swap3A_36 = vector.shape_cast %broadcast_in_dim3A_32 : vector<32xbf16> to vector<1x32xbf16>
      tpu.vector_store %arg11[%swap3A, %swap3A_33], %swap3A_36 {strides = array<i32>} : memref<80x64xbf16, #tpu.memory_space<vmem>>, vector<1x32xbf16>,
      %broadcast_in_dim3A_37 = arith.constant 0.000000e+00 : bf16
      %broadcast_in_dim3A_38 = vector.broadcast %broadcast_in_dim3A_37 : bf16 to vector<32xbf16>
      %swap3A_39 = arith.index_cast %scan3A_30 : i32 to index
      %swap3A_40 = arith.constant 32 : index
      %swap3A_41 = tpu.vector_load %arg11[%swap3A_39, %swap3A_40] {strides = array<i32>} : memref<80x64xbf16, #tpu.memory_space<vmem>>, vector<1x32xbf16>,
      %swap3A_42 = vector.shape_cast %swap3A_41 : vector<1x32xbf16> to vector<32xbf16>
      %swap3A_43 = vector.shape_cast %broadcast_in_dim3A_38 : vector<32xbf16> to vector<1x32xbf16>
      tpu.vector_store %arg11[%swap3A_39, %swap3A_40], %swap3A_43 {strides = array<i32>} : memref<80x64xbf16, #tpu.memory_space<vmem>>, vector<1x32xbf16>,
      %scan3A_44 = arith.constant 0 : i32
      scf.yield %scan3A_44 : i32
    }
    %scan3A_5 = arith.constant 80 : i32
    %mul3A = arith.constant 640 : i32
    %mul3A_6 = arith.muli %arg1, %mul3A : i32
    %add3A = arith.constant 0 : i32
    %add3A_7 = arith.addi %mul3A_6, %add3A : i32
    "tpu.region"() ({
      %run_scoped3A = tpu.sem_alloc : memref<!tpu.dma_semaphore, #tpu.memory_space<semaphore_mem>>
      %dma_start3A = arith.constant 0 : i32
      %dma_start3A_30 = tpu.memref_slice %arg12[%add3A_7, %dma_start3A] : memref<10240x64xbf16, #tpu.memory_space<vmem_shared>> -> memref<80x64xbf16, #tpu.memory_space<vmem_shared>>
      %dma_start3A_31 = arith.constant 0 : i32
      %dma_start3A_32 = tpu.memref_slice %arg12[%add3A_7, %dma_start3A_31] : memref<10240x64xbf16, #tpu.memory_space<vmem_shared>> -> memref<80x64xbf16, #tpu.memory_space<vmem_shared>>
      tpu.enqueue_dma source(%arg11 : memref<80x64xbf16, #tpu.memory_space<vmem>>) target(%dma_start3A_32 : memref<80x64xbf16, #tpu.memory_space<vmem_shared>>) target_semaphore(%run_scoped3A : memref<!tpu.dma_semaphore, #tpu.memory_space<semaphore_mem>>)
      %dma_wait3A = arith.constant 0 : i32
      %dma_wait3A_33 = tpu.memref_slice %arg12[%add3A_7, %dma_wait3A] : memref<10240x64xbf16, #tpu.memory_space<vmem_shared>> -> memref<80x64xbf16, #tpu.memory_space<vmem_shared>>
      %dma_wait3A_34 = arith.constant 0 : i32
      %dma_wait3A_35 = tpu.memref_slice %arg12[%add3A_7, %dma_wait3A_34] : memref<10240x64xbf16, #tpu.memory_space<vmem_shared>> -> memref<80x64xbf16, #tpu.memory_space<vmem_shared>>
      tpu.wait_dma2 semaphore(%run_scoped3A : memref<!tpu.dma_semaphore, #tpu.memory_space<semaphore_mem>>) src(%arg11 : memref<80x64xbf16, #tpu.memory_space<vmem>>) dst(%dma_wait3A_35 : memref<80x64xbf16, #tpu.memory_space<vmem_shared>>)
      tpu.yield
    }) : () -> ()
    %add3A_8 = arith.constant 80 : i32
    %add3A_9 = arith.addi %mul3A_6, %add3A_8 : i32
    "tpu.region"() ({
      %run_scoped3A = tpu.sem_alloc : memref<!tpu.dma_semaphore, #tpu.memory_space<semaphore_mem>>
      %dma_start3A = arith.constant 0 : i32
      %dma_start3A_30 = tpu.memref_slice %arg12[%add3A_9, %dma_start3A] : memref<10240x64xbf16, #tpu.memory_space<vmem_shared>> -> memref<80x64xbf16, #tpu.memory_space<vmem_shared>>
      %dma_start3A_31 = arith.constant 0 : i32
      %dma_start3A_32 = tpu.memref_slice %arg12[%add3A_9, %dma_start3A_31] : memref<10240x64xbf16, #tpu.memory_space<vmem_shared>> -> memref<80x64xbf16, #tpu.memory_space<vmem_shared>>
      tpu.enqueue_dma source(%arg11 : memref<80x64xbf16, #tpu.memory_space<vmem>>) target(%dma_start3A_32 : memref<80x64xbf16, #tpu.memory_space<vmem_shared>>) target_semaphore(%run_scoped3A : memref<!tpu.dma_semaphore, #tpu.memory_space<semaphore_mem>>)
      %dma_wait3A = arith.constant 0 : i32
      %dma_wait3A_33 = tpu.memref_slice %arg12[%add3A_9, %dma_wait3A] : memref<10240x64xbf16, #tpu.memory_space<vmem_shared>> -> memref<80x64xbf16, #tpu.memory_space<vmem_shared>>
      %dma_wait3A_34 = arith.constant 0 : i32
      %dma_wait3A_35 = tpu.memref_slice %arg12[%add3A_9, %dma_wait3A_34] : memref<10240x64xbf16, #tpu.memory_space<vmem_shared>> -> memref<80x64xbf16, #tpu.memory_space<vmem_shared>>
      tpu.wait_dma2 semaphore(%run_scoped3A : memref<!tpu.dma_semaphore, #tpu.memory_space<semaphore_mem>>) src(%arg11 : memref<80x64xbf16, #tpu.memory_space<vmem>>) dst(%dma_wait3A_35 : memref<80x64xbf16, #tpu.memory_space<vmem_shared>>)
      tpu.yield
    }) : () -> ()
    %add3A_10 = arith.constant 160 : i32
    %add3A_11 = arith.addi %mul3A_6, %add3A_10 : i32
    "tpu.region"() ({
      %run_scoped3A = tpu.sem_alloc : memref<!tpu.dma_semaphore, #tpu.memory_space<semaphore_mem>>
      %dma_start3A = arith.constant 0 : i32
      %dma_start3A_30 = tpu.memref_slice %arg12[%add3A_11, %dma_start3A] : memref<10240x64xbf16, #tpu.memory_space<vmem_shared>> -> memref<80x64xbf16, #tpu.memory_space<vmem_shared>>
      %dma_start3A_31 = arith.constant 0 : i32
      %dma_start3A_32 = tpu.memref_slice %arg12[%add3A_11, %dma_start3A_31] : memref<10240x64xbf16, #tpu.memory_space<vmem_shared>> -> memref<80x64xbf16, #tpu.memory_space<vmem_shared>>
      tpu.enqueue_dma source(%arg11 : memref<80x64xbf16, #tpu.memory_space<vmem>>) target(%dma_start3A_32 : memref<80x64xbf16, #tpu.memory_space<vmem_shared>>) target_semaphore(%run_scoped3A : memref<!tpu.dma_semaphore, #tpu.memory_space<semaphore_mem>>)
      %dma_wait3A = arith.constant 0 : i32
      %dma_wait3A_33 = tpu.memref_slice %arg12[%add3A_11, %dma_wait3A] : memref<10240x64xbf16, #tpu.memory_space<vmem_shared>> -> memref<80x64xbf16, #tpu.memory_space<vmem_shared>>
      %dma_wait3A_34 = arith.constant 0 : i32
      %dma_wait3A_35 = tpu.memref_slice %arg12[%add3A_11, %dma_wait3A_34] : memref<10240x64xbf16, #tpu.memory_space<vmem_shared>> -> memref<80x64xbf16, #tpu.memory_space<vmem_shared>>
      tpu.wait_dma2 semaphore(%run_scoped3A : memref<!tpu.dma_semaphore, #tpu.memory_space<semaphore_mem>>) src(%arg11 : memref<80x64xbf16, #tpu.memory_space<vmem>>) dst(%dma_wait3A_35 : memref<80x64xbf16, #tpu.memory_space<vmem_shared>>)
      tpu.yield
    }) : () -> ()
    %add3A_12 = arith.constant 240 : i32
    %add3A_13 = arith.addi %mul3A_6, %add3A_12 : i32
    "tpu.region"() ({
      %run_scoped3A = tpu.sem_alloc : memref<!tpu.dma_semaphore, #tpu.memory_space<semaphore_mem>>
      %dma_start3A = arith.constant 0 : i32
      %dma_start3A_30 = tpu.memref_slice %arg12[%add3A_13, %dma_start3A] : memref<10240x64xbf16, #tpu.memory_space<vmem_shared>> -> memref<80x64xbf16, #tpu.memory_space<vmem_shared>>
      %dma_start3A_31 = arith.constant 0 : i32
      %dma_start3A_32 = tpu.memref_slice %arg12[%add3A_13, %dma_start3A_31] : memref<10240x64xbf16, #tpu.memory_space<vmem_shared>> -> memref<80x64xbf16, #tpu.memory_space<vmem_shared>>
      tpu.enqueue_dma source(%arg11 : memref<80x64xbf16, #tpu.memory_space<vmem>>) target(%dma_start3A_32 : memref<80x64xbf16, #tpu.memory_space<vmem_shared>>) target_semaphore(%run_scoped3A : memref<!tpu.dma_semaphore, #tpu.memory_space<semaphore_mem>>)
      %dma_wait3A = arith.constant 0 : i32
      %dma_wait3A_33 = tpu.memref_slice %arg12[%add3A_13, %dma_wait3A] : memref<10240x64xbf16, #tpu.memory_space<vmem_shared>> -> memref<80x64xbf16, #tpu.memory_space<vmem_shared>>
      %dma_wait3A_34 = arith.constant 0 : i32
      %dma_wait3A_35 = tpu.memref_slice %arg12[%add3A_13, %dma_wait3A_34] : memref<10240x64xbf16, #tpu.memory_space<vmem_shared>> -> memref<80x64xbf16, #tpu.memory_space<vmem_shared>>
      tpu.wait_dma2 semaphore(%run_scoped3A : memref<!tpu.dma_semaphore, #tpu.memory_space<semaphore_mem>>) src(%arg11 : memref<80x64xbf16, #tpu.memory_space<vmem>>) dst(%dma_wait3A_35 : memref<80x64xbf16, #tpu.memory_space<vmem_shared>>)
      tpu.yield
    }) : () -> ()
    %add3A_14 = arith.constant 320 : i32
    %add3A_15 = arith.addi %mul3A_6, %add3A_14 : i32
    "tpu.region"() ({
      %run_scoped3A = tpu.sem_alloc : memref<!tpu.dma_semaphore, #tpu.memory_space<semaphore_mem>>
      %dma_start3A = arith.constant 0 : i32
      %dma_start3A_30 = tpu.memref_slice %arg12[%add3A_15, %dma_start3A] : memref<10240x64xbf16, #tpu.memory_space<vmem_shared>> -> memref<80x64xbf16, #tpu.memory_space<vmem_shared>>
      %dma_start3A_31 = arith.constant 0 : i32
      %dma_start3A_32 = tpu.memref_slice %arg12[%add3A_15, %dma_start3A_31] : memref<10240x64xbf16, #tpu.memory_space<vmem_shared>> -> memref<80x64xbf16, #tpu.memory_space<vmem_shared>>
      tpu.enqueue_dma source(%arg11 : memref<80x64xbf16, #tpu.memory_space<vmem>>) target(%dma_start3A_32 : memref<80x64xbf16, #tpu.memory_space<vmem_shared>>) target_semaphore(%run_scoped3A : memref<!tpu.dma_semaphore, #tpu.memory_space<semaphore_mem>>)
      %dma_wait3A = arith.constant 0 : i32
      %dma_wait3A_33 = tpu.memref_slice %arg12[%add3A_15, %dma_wait3A] : memref<10240x64xbf16, #tpu.memory_space<vmem_shared>> -> memref<80x64xbf16, #tpu.memory_space<vmem_shared>>
      %dma_wait3A_34 = arith.constant 0 : i32
      %dma_wait3A_35 = tpu.memref_slice %arg12[%add3A_15, %dma_wait3A_34] : memref<10240x64xbf16, #tpu.memory_space<vmem_shared>> -> memref<80x64xbf16, #tpu.memory_space<vmem_shared>>
      tpu.wait_dma2 semaphore(%run_scoped3A : memref<!tpu.dma_semaphore, #tpu.memory_space<semaphore_mem>>) src(%arg11 : memref<80x64xbf16, #tpu.memory_space<vmem>>) dst(%dma_wait3A_35 : memref<80x64xbf16, #tpu.memory_space<vmem_shared>>)
      tpu.yield
    }) : () -> ()
    %add3A_16 = arith.constant 400 : i32
    %add3A_17 = arith.addi %mul3A_6, %add3A_16 : i32
    "tpu.region"() ({
      %run_scoped3A = tpu.sem_alloc : memref<!tpu.dma_semaphore, #tpu.memory_space<semaphore_mem>>
      %dma_start3A = arith.constant 0 : i32
      %dma_start3A_30 = tpu.memref_slice %arg12[%add3A_17, %dma_start3A] : memref<10240x64xbf16, #tpu.memory_space<vmem_shared>> -> memref<80x64xbf16, #tpu.memory_space<vmem_shared>>
      %dma_start3A_31 = arith.constant 0 : i32
      %dma_start3A_32 = tpu.memref_slice %arg12[%add3A_17, %dma_start3A_31] : memref<10240x64xbf16, #tpu.memory_space<vmem_shared>> -> memref<80x64xbf16, #tpu.memory_space<vmem_shared>>
      tpu.enqueue_dma source(%arg11 : memref<80x64xbf16, #tpu.memory_space<vmem>>) target(%dma_start3A_32 : memref<80x64xbf16, #tpu.memory_space<vmem_shared>>) target_semaphore(%run_scoped3A : memref<!tpu.dma_semaphore, #tpu.memory_space<semaphore_mem>>)
      %dma_wait3A = arith.constant 0 : i32
      %dma_wait3A_33 = tpu.memref_slice %arg12[%add3A_17, %dma_wait3A] : memref<10240x64xbf16, #tpu.memory_space<vmem_shared>> -> memref<80x64xbf16, #tpu.memory_space<vmem_shared>>
      %dma_wait3A_34 = arith.constant 0 : i32
      %dma_wait3A_35 = tpu.memref_slice %arg12[%add3A_17, %dma_wait3A_34] : memref<10240x64xbf16, #tpu.memory_space<vmem_shared>> -> memref<80x64xbf16, #tpu.memory_space<vmem_shared>>
      tpu.wait_dma2 semaphore(%run_scoped3A : memref<!tpu.dma_semaphore, #tpu.memory_space<semaphore_mem>>) src(%arg11 : memref<80x64xbf16, #tpu.memory_space<vmem>>) dst(%dma_wait3A_35 : memref<80x64xbf16, #tpu.memory_space<vmem_shared>>)
      tpu.yield
    }) : () -> ()
    %add3A_18 = arith.constant 480 : i32
    %add3A_19 = arith.addi %mul3A_6, %add3A_18 : i32
    "tpu.region"() ({
      %run_scoped3A = tpu.sem_alloc : memref<!tpu.dma_semaphore, #tpu.memory_space<semaphore_mem>>
      %dma_start3A = arith.constant 0 : i32
      %dma_start3A_30 = tpu.memref_slice %arg12[%add3A_19, %dma_start3A] : memref<10240x64xbf16, #tpu.memory_space<vmem_shared>> -> memref<80x64xbf16, #tpu.memory_space<vmem_shared>>
      %dma_start3A_31 = arith.constant 0 : i32
      %dma_start3A_32 = tpu.memref_slice %arg12[%add3A_19, %dma_start3A_31] : memref<10240x64xbf16, #tpu.memory_space<vmem_shared>> -> memref<80x64xbf16, #tpu.memory_space<vmem_shared>>
      tpu.enqueue_dma source(%arg11 : memref<80x64xbf16, #tpu.memory_space<vmem>>) target(%dma_start3A_32 : memref<80x64xbf16, #tpu.memory_space<vmem_shared>>) target_semaphore(%run_scoped3A : memref<!tpu.dma_semaphore, #tpu.memory_space<semaphore_mem>>)
      %dma_wait3A = arith.constant 0 : i32
      %dma_wait3A_33 = tpu.memref_slice %arg12[%add3A_19, %dma_wait3A] : memref<10240x64xbf16, #tpu.memory_space<vmem_shared>> -> memref<80x64xbf16, #tpu.memory_space<vmem_shared>>
      %dma_wait3A_34 = arith.constant 0 : i32
      %dma_wait3A_35 = tpu.memref_slice %arg12[%add3A_19, %dma_wait3A_34] : memref<10240x64xbf16, #tpu.memory_space<vmem_shared>> -> memref<80x64xbf16, #tpu.memory_space<vmem_shared>>
      tpu.wait_dma2 semaphore(%run_scoped3A : memref<!tpu.dma_semaphore, #tpu.memory_space<semaphore_mem>>) src(%arg11 : memref<80x64xbf16, #tpu.memory_space<vmem>>) dst(%dma_wait3A_35 : memref<80x64xbf16, #tpu.memory_space<vmem_shared>>)
      tpu.yield
    }) : () -> ()
    %add3A_20 = arith.constant 560 : i32
    %add3A_21 = arith.addi %mul3A_6, %add3A_20 : i32
    "tpu.region"() ({
      %run_scoped3A = tpu.sem_alloc : memref<!tpu.dma_semaphore, #tpu.memory_space<semaphore_mem>>
      %dma_start3A = arith.constant 0 : i32
      %dma_start3A_30 = tpu.memref_slice %arg12[%add3A_21, %dma_start3A] : memref<10240x64xbf16, #tpu.memory_space<vmem_shared>> -> memref<80x64xbf16, #tpu.memory_space<vmem_shared>>
      %dma_start3A_31 = arith.constant 0 : i32
      %dma_start3A_32 = tpu.memref_slice %arg12[%add3A_21, %dma_start3A_31] : memref<10240x64xbf16, #tpu.memory_space<vmem_shared>> -> memref<80x64xbf16, #tpu.memory_space<vmem_shared>>
      tpu.enqueue_dma source(%arg11 : memref<80x64xbf16, #tpu.memory_space<vmem>>) target(%dma_start3A_32 : memref<80x64xbf16, #tpu.memory_space<vmem_shared>>) target_semaphore(%run_scoped3A : memref<!tpu.dma_semaphore, #tpu.memory_space<semaphore_mem>>)
      %dma_wait3A = arith.constant 0 : i32
      %dma_wait3A_33 = tpu.memref_slice %arg12[%add3A_21, %dma_wait3A] : memref<10240x64xbf16, #tpu.memory_space<vmem_shared>> -> memref<80x64xbf16, #tpu.memory_space<vmem_shared>>
      %dma_wait3A_34 = arith.constant 0 : i32
      %dma_wait3A_35 = tpu.memref_slice %arg12[%add3A_21, %dma_wait3A_34] : memref<10240x64xbf16, #tpu.memory_space<vmem_shared>> -> memref<80x64xbf16, #tpu.memory_space<vmem_shared>>
      tpu.wait_dma2 semaphore(%run_scoped3A : memref<!tpu.dma_semaphore, #tpu.memory_space<semaphore_mem>>) src(%arg11 : memref<80x64xbf16, #tpu.memory_space<vmem>>) dst(%dma_wait3A_35 : memref<80x64xbf16, #tpu.memory_space<vmem_shared>>)
      tpu.yield
    }) : () -> ()
    %barrier3A = arith.constant 0 : index
    tpu.barrier barrier_id(%barrier3A)
    %eq3A = arith.constant 0 : i32
    %eq3A_22 = arith.cmpi eq, %arg0, %eq3A : i32
    %convert_element_type3A = arith.extui %eq3A_22 : i1 to i32
    %cond3A = arith.constant 0 : i32
    %cond3A_23 = arith.cmpi ne, %convert_element_type3A, %cond3A : i32
    scf.if %cond3A_23 {
      %dma_start3A = arith.constant 0 : i32
      %dma_start3A_30 = arith.constant 0 : i32
      %dma_start3A_31 = tpu.memref_slice %arg7[%dma_start3A, %dma_start3A_30] : memref<158x128xi32, #tpu.memory_space<vmem>> -> memref<1x128xi32, #tpu.memory_space<vmem>>
      %dma_start3A_32 = tpu.memref_squeeze %dma_start3A_31 : memref<1x128xi32, #tpu.memory_space<vmem>> -> memref<128xi32, #tpu.memory_space<vmem>>
      %dma_start3A_33 = arith.constant 0 : i32
      %dma_start3A_34 = arith.constant 0 : i32
      %dma_start3A_35 = tpu.memref_slice %arg2[%dma_start3A_33, %dma_start3A_34] : memref<10240x64xbf16, #tpu.memory_space<hbm>> -> memref<10240x64xbf16, #tpu.memory_space<hbm>>
      tpu.enqueue_indirect_dma source(%dma_start3A_35 : memref<10240x64xbf16, #tpu.memory_space<hbm>>) target(%arg9 : memref<128x64xbf16, #tpu.memory_space<vmem>>) offsets(%dma_start3A_32 : memref<128xi32, #tpu.memory_space<vmem>>) semaphore(%arg13 : memref<!tpu.dma_semaphore, #tpu.memory_space<semaphore_mem>>)
      %scan3A_36 = arith.constant 0 : i32
      %scan3A_37 = arith.constant 0 : i32
      %scan3A_38 = arith.constant 79 : i32
      %scan3A_39 = arith.addi %scan3A_37, %scan3A_38 : i32
      %scan3A_40 = arith.constant 1 : i32
      %scan3A_41 = scf.for %scan3A_49 = %scan3A_37 to %scan3A_39 step %scan3A_40 iter_args(%scan3A_50 = %scan3A_36) -> (i32)  : i32 {
        %mul3A_51 = arith.constant 2 : i32
        %mul3A_52 = arith.muli %mul3A_51, %scan3A_49 : i32
        %dma_wait3A_53 = arith.constant 0 : i32
        %dma_wait3A_54 = tpu.memref_slice %arg7[%mul3A_52, %dma_wait3A_53] : memref<158x128xi32, #tpu.memory_space<vmem>> -> memref<1x128xi32, #tpu.memory_space<vmem>>
        %dma_wait3A_55 = tpu.memref_squeeze %dma_wait3A_54 : memref<1x128xi32, #tpu.memory_space<vmem>> -> memref<128xi32, #tpu.memory_space<vmem>>
        %dma_wait3A_56 = arith.constant 0 : i32
        %dma_wait3A_57 = arith.constant 0 : i32
        %dma_wait3A_58 = tpu.memref_slice %arg2[%dma_wait3A_56, %dma_wait3A_57] : memref<10240x64xbf16, #tpu.memory_space<hbm>> -> memref<10240x64xbf16, #tpu.memory_space<hbm>>
        tpu.wait_indirect_dma semaphore(%arg13 : memref<!tpu.dma_semaphore, #tpu.memory_space<semaphore_mem>>) src(%dma_wait3A_58 : memref<10240x64xbf16, #tpu.memory_space<hbm>>) dst(%arg9 : memref<128x64xbf16, #tpu.memory_space<vmem>>)
        %gt3A = arith.constant 0 : i32
        %gt3A_59 = arith.cmpi sgt, %scan3A_49, %gt3A : i32
        %convert_element_type3A_60 = arith.extui %gt3A_59 : i1 to i32
        %cond3A_61 = arith.constant 0 : i32
        %cond3A_62 = arith.cmpi ne, %convert_element_type3A_60, %cond3A_61 : i32
        scf.if %cond3A_62 {
          %sub3A = arith.constant 1 : i32
          %sub3A_104 = arith.subi %mul3A_52, %sub3A : i32
          %dma_wait3A_105 = arith.constant 0 : i32
          %dma_wait3A_106 = tpu.memref_slice %arg8[%sub3A_104, %dma_wait3A_105] : memref<158x128xi32, #tpu.memory_space<vmem>> -> memref<1x128xi32, #tpu.memory_space<vmem>>
          %dma_wait3A_107 = tpu.memref_squeeze %dma_wait3A_106 : memref<1x128xi32, #tpu.memory_space<vmem>> -> memref<128xi32, #tpu.memory_space<vmem>>
          %dma_wait3A_108 = arith.constant 0 : i32
          %dma_wait3A_109 = arith.constant 0 : i32
          %dma_wait3A_110 = tpu.memref_slice %arg12[%dma_wait3A_108, %dma_wait3A_109] : memref<10240x64xbf16, #tpu.memory_space<vmem_shared>> -> memref<10240x64xbf16, #tpu.memory_space<vmem_shared>>
          tpu.wait_indirect_dma semaphore(%arg16 : memref<!tpu.dma_semaphore, #tpu.memory_space<semaphore_mem>>) src(%arg10 : memref<128x64xbf16, #tpu.memory_space<vmem>>) dst(%dma_wait3A_110 : memref<10240x64xbf16, #tpu.memory_space<vmem_shared>>)
        } else {
        }
        %add3A_63 = arith.constant 1 : i32
        %add3A_64 = arith.addi %mul3A_52, %add3A_63 : i32
        %dma_start3A_65 = arith.constant 0 : i32
        %dma_start3A_66 = tpu.memref_slice %arg7[%add3A_64, %dma_start3A_65] : memref<158x128xi32, #tpu.memory_space<vmem>> -> memref<1x128xi32, #tpu.memory_space<vmem>>
        %dma_start3A_67 = tpu.memref_squeeze %dma_start3A_66 : memref<1x128xi32, #tpu.memory_space<vmem>> -> memref<128xi32, #tpu.memory_space<vmem>>
        %dma_start3A_68 = arith.constant 0 : i32
        %dma_start3A_69 = arith.constant 0 : i32
        %dma_start3A_70 = tpu.memref_slice %arg2[%dma_start3A_68, %dma_start3A_69] : memref<10240x64xbf16, #tpu.memory_space<hbm>> -> memref<10240x64xbf16, #tpu.memory_space<hbm>>
        tpu.enqueue_indirect_dma source(%dma_start3A_70 : memref<10240x64xbf16, #tpu.memory_space<hbm>>) target(%arg10 : memref<128x64xbf16, #tpu.memory_space<vmem>>) offsets(%dma_start3A_67 : memref<128xi32, #tpu.memory_space<vmem>>) semaphore(%arg14 : memref<!tpu.dma_semaphore, #tpu.memory_space<semaphore_mem>>)
        %dma_start3A_71 = arith.constant 0 : i32
        %dma_start3A_72 = tpu.memref_slice %arg8[%mul3A_52, %dma_start3A_71] : memref<158x128xi32, #tpu.memory_space<vmem>> -> memref<1x128xi32, #tpu.memory_space<vmem>>
        %dma_start3A_73 = tpu.memref_squeeze %dma_start3A_72 : memref<1x128xi32, #tpu.memory_space<vmem>> -> memref<128xi32, #tpu.memory_space<vmem>>
        %dma_start3A_74 = arith.constant 0 : i32
        %dma_start3A_75 = arith.constant 0 : i32
        %dma_start3A_76 = tpu.memref_slice %arg12[%dma_start3A_74, %dma_start3A_75] : memref<10240x64xbf16, #tpu.memory_space<vmem_shared>> -> memref<10240x64xbf16, #tpu.memory_space<vmem_shared>>
        tpu.enqueue_indirect_dma source(%arg9 : memref<128x64xbf16, #tpu.memory_space<vmem>>) target(%dma_start3A_76 : memref<10240x64xbf16, #tpu.memory_space<vmem_shared>>) offsets(%dma_start3A_73 : memref<128xi32, #tpu.memory_space<vmem>>) semaphore(%arg15 : memref<!tpu.dma_semaphore, #tpu.memory_space<semaphore_mem>>) {add = true}
        %dma_wait3A_77 = arith.constant 0 : i32
        %dma_wait3A_78 = tpu.memref_slice %arg7[%add3A_64, %dma_wait3A_77] : memref<158x128xi32, #tpu.memory_space<vmem>> -> memref<1x128xi32, #tpu.memory_space<vmem>>
        %dma_wait3A_79 = tpu.memref_squeeze %dma_wait3A_78 : memref<1x128xi32, #tpu.memory_space<vmem>> -> memref<128xi32, #tpu.memory_space<vmem>>
        %dma_wait3A_80 = arith.constant 0 : i32
        %dma_wait3A_81 = arith.constant 0 : i32
        %dma_wait3A_82 = tpu.memref_slice %arg2[%dma_wait3A_80, %dma_wait3A_81] : memref<10240x64xbf16, #tpu.memory_space<hbm>> -> memref<10240x64xbf16, #tpu.memory_space<hbm>>
        tpu.wait_indirect_dma semaphore(%arg14 : memref<!tpu.dma_semaphore, #tpu.memory_space<semaphore_mem>>) src(%dma_wait3A_82 : memref<10240x64xbf16, #tpu.memory_space<hbm>>) dst(%arg10 : memref<128x64xbf16, #tpu.memory_space<vmem>>)
        %dma_wait3A_83 = arith.constant 0 : i32
        %dma_wait3A_84 = tpu.memref_slice %arg8[%mul3A_52, %dma_wait3A_83] : memref<158x128xi32, #tpu.memory_space<vmem>> -> memref<1x128xi32, #tpu.memory_space<vmem>>
        %dma_wait3A_85 = tpu.memref_squeeze %dma_wait3A_84 : memref<1x128xi32, #tpu.memory_space<vmem>> -> memref<128xi32, #tpu.memory_space<vmem>>
        %dma_wait3A_86 = arith.constant 0 : i32
        %dma_wait3A_87 = arith.constant 0 : i32
        %dma_wait3A_88 = tpu.memref_slice %arg12[%dma_wait3A_86, %dma_wait3A_87] : memref<10240x64xbf16, #tpu.memory_space<vmem_shared>> -> memref<10240x64xbf16, #tpu.memory_space<vmem_shared>>
        tpu.wait_indirect_dma semaphore(%arg15 : memref<!tpu.dma_semaphore, #tpu.memory_space<semaphore_mem>>) src(%arg9 : memref<128x64xbf16, #tpu.memory_space<vmem>>) dst(%dma_wait3A_88 : memref<10240x64xbf16, #tpu.memory_space<vmem_shared>>)
        %add3A_89 = arith.constant 2 : i32
        %add3A_90 = arith.addi %mul3A_52, %add3A_89 : i32
        %lt3A = arith.constant 158 : i32
        %lt3A_91 = arith.cmpi slt, %add3A_90, %lt3A : i32
        %convert_element_type3A_92 = arith.extui %lt3A_91 : i1 to i32
        %cond3A_93 = arith.constant 0 : i32
        %cond3A_94 = arith.cmpi ne, %convert_element_type3A_92, %cond3A_93 : i32
        scf.if %cond3A_94 {
          %add3A_104 = arith.constant 2 : i32
          %add3A_105 = arith.addi %mul3A_52, %add3A_104 : i32
          %dma_start3A_106 = arith.constant 0 : i32
          %dma_start3A_107 = tpu.memref_slice %arg7[%add3A_105, %dma_start3A_106] : memref<158x128xi32, #tpu.memory_space<vmem>> -> memref<1x128xi32, #tpu.memory_space<vmem>>
          %dma_start3A_108 = tpu.memref_squeeze %dma_start3A_107 : memref<1x128xi32, #tpu.memory_space<vmem>> -> memref<128xi32, #tpu.memory_space<vmem>>
          %dma_start3A_109 = arith.constant 0 : i32
          %dma_start3A_110 = arith.constant 0 : i32
          %dma_start3A_111 = tpu.memref_slice %arg2[%dma_start3A_109, %dma_start3A_110] : memref<10240x64xbf16, #tpu.memory_space<hbm>> -> memref<10240x64xbf16, #tpu.memory_space<hbm>>
          tpu.enqueue_indirect_dma source(%dma_start3A_111 : memref<10240x64xbf16, #tpu.memory_space<hbm>>) target(%arg9 : memref<128x64xbf16, #tpu.memory_space<vmem>>) offsets(%dma_start3A_108 : memref<128xi32, #tpu.memory_space<vmem>>) semaphore(%arg13 : memref<!tpu.dma_semaphore, #tpu.memory_space<semaphore_mem>>)
        } else {
        }
        %add3A_95 = arith.constant 1 : i32
        %add3A_96 = arith.addi %mul3A_52, %add3A_95 : i32
        %dma_start3A_97 = arith.constant 0 : i32
        %dma_start3A_98 = tpu.memref_slice %arg8[%add3A_96, %dma_start3A_97] : memref<158x128xi32, #tpu.memory_space<vmem>> -> memref<1x128xi32, #tpu.memory_space<vmem>>
        %dma_start3A_99 = tpu.memref_squeeze %dma_start3A_98 : memref<1x128xi32, #tpu.memory_space<vmem>> -> memref<128xi32, #tpu.memory_space<vmem>>
        %dma_start3A_100 = arith.constant 0 : i32
        %dma_start3A_101 = arith.constant 0 : i32
        %dma_start3A_102 = tpu.memref_slice %arg12[%dma_start3A_100, %dma_start3A_101] : memref<10240x64xbf16, #tpu.memory_space<vmem_shared>> -> memref<10240x64xbf16, #tpu.memory_space<vmem_shared>>
        tpu.enqueue_indirect_dma source(%arg10 : memref<128x64xbf16, #tpu.memory_space<vmem>>) target(%dma_start3A_102 : memref<10240x64xbf16, #tpu.memory_space<vmem_shared>>) offsets(%dma_start3A_99 : memref<128xi32, #tpu.memory_space<vmem>>) semaphore(%arg16 : memref<!tpu.dma_semaphore, #tpu.memory_space<semaphore_mem>>) {add = true}
        %scan3A_103 = arith.constant 0 : i32
        scf.yield %scan3A_103 : i32
      }
      %scan3A_42 = arith.constant 79 : i32
      %dma_wait3A = arith.constant 157 : i32
      %dma_wait3A_43 = arith.constant 0 : i32
      %dma_wait3A_44 = tpu.memref_slice %arg8[%dma_wait3A, %dma_wait3A_43] : memref<158x128xi32, #tpu.memory_space<vmem>> -> memref<1x128xi32, #tpu.memory_space<vmem>>
      %dma_wait3A_45 = tpu.memref_squeeze %dma_wait3A_44 : memref<1x128xi32, #tpu.memory_space<vmem>> -> memref<128xi32, #tpu.memory_space<vmem>>
      %dma_wait3A_46 = arith.constant 0 : i32
      %dma_wait3A_47 = arith.constant 0 : i32
      %dma_wait3A_48 = tpu.memref_slice %arg12[%dma_wait3A_46, %dma_wait3A_47] : memref<10240x64xbf16, #tpu.memory_space<vmem_shared>> -> memref<10240x64xbf16, #tpu.memory_space<vmem_shared>>
      tpu.wait_indirect_dma semaphore(%arg16 : memref<!tpu.dma_semaphore, #tpu.memory_space<semaphore_mem>>) src(%arg10 : memref<128x64xbf16, #tpu.memory_space<vmem>>) dst(%dma_wait3A_48 : memref<10240x64xbf16, #tpu.memory_space<vmem_shared>>)
    } else {
    }
    %eq3A_24 = arith.constant 1 : i32
    %eq3A_25 = arith.cmpi eq, %arg0, %eq3A_24 : i32
    %convert_element_type3A_26 = arith.extui %eq3A_25 : i1 to i32
    %cond3A_27 = arith.constant 0 : i32
    %cond3A_28 = arith.cmpi ne, %convert_element_type3A_26, %cond3A_27 : i32
    scf.if %cond3A_28 {
      %dma_start3A = arith.constant 0 : i32
      %dma_start3A_30 = arith.constant 0 : i32
      %dma_start3A_31 = tpu.memref_slice %arg7[%dma_start3A, %dma_start3A_30] : memref<158x128xi32, #tpu.memory_space<vmem>> -> memref<1x128xi32, #tpu.memory_space<vmem>>
      %dma_start3A_32 = tpu.memref_squeeze %dma_start3A_31 : memref<1x128xi32, #tpu.memory_space<vmem>> -> memref<128xi32, #tpu.memory_space<vmem>>
      %dma_start3A_33 = arith.constant 0 : i32
      %dma_start3A_34 = arith.constant 0 : i32
      %dma_start3A_35 = tpu.memref_slice %arg3[%dma_start3A_33, %dma_start3A_34] : memref<10240x64xbf16, #tpu.memory_space<hbm>> -> memref<10240x64xbf16, #tpu.memory_space<hbm>>
      tpu.enqueue_indirect_dma source(%dma_start3A_35 : memref<10240x64xbf16, #tpu.memory_space<hbm>>) target(%arg9 : memref<128x64xbf16, #tpu.memory_space<vmem>>) offsets(%dma_start3A_32 : memref<128xi32, #tpu.memory_space<vmem>>) semaphore(%arg13 : memref<!tpu.dma_semaphore, #tpu.memory_space<semaphore_mem>>)
      %scan3A_36 = arith.constant 0 : i32
      %scan3A_37 = arith.constant 0 : i32
      %scan3A_38 = arith.constant 79 : i32
      %scan3A_39 = arith.addi %scan3A_37, %scan3A_38 : i32
      %scan3A_40 = arith.constant 1 : i32
      %scan3A_41 = scf.for %scan3A_49 = %scan3A_37 to %scan3A_39 step %scan3A_40 iter_args(%scan3A_50 = %scan3A_36) -> (i32)  : i32 {
        %mul3A_51 = arith.constant 2 : i32
        %mul3A_52 = arith.muli %mul3A_51, %scan3A_49 : i32
        %dma_wait3A_53 = arith.constant 0 : i32
        %dma_wait3A_54 = tpu.memref_slice %arg7[%mul3A_52, %dma_wait3A_53] : memref<158x128xi32, #tpu.memory_space<vmem>> -> memref<1x128xi32, #tpu.memory_space<vmem>>
        %dma_wait3A_55 = tpu.memref_squeeze %dma_wait3A_54 : memref<1x128xi32, #tpu.memory_space<vmem>> -> memref<128xi32, #tpu.memory_space<vmem>>
        %dma_wait3A_56 = arith.constant 0 : i32
        %dma_wait3A_57 = arith.constant 0 : i32
        %dma_wait3A_58 = tpu.memref_slice %arg3[%dma_wait3A_56, %dma_wait3A_57] : memref<10240x64xbf16, #tpu.memory_space<hbm>> -> memref<10240x64xbf16, #tpu.memory_space<hbm>>
        tpu.wait_indirect_dma semaphore(%arg13 : memref<!tpu.dma_semaphore, #tpu.memory_space<semaphore_mem>>) src(%dma_wait3A_58 : memref<10240x64xbf16, #tpu.memory_space<hbm>>) dst(%arg9 : memref<128x64xbf16, #tpu.memory_space<vmem>>)
        %gt3A = arith.constant 0 : i32
        %gt3A_59 = arith.cmpi sgt, %scan3A_49, %gt3A : i32
        %convert_element_type3A_60 = arith.extui %gt3A_59 : i1 to i32
        %cond3A_61 = arith.constant 0 : i32
        %cond3A_62 = arith.cmpi ne, %convert_element_type3A_60, %cond3A_61 : i32
        scf.if %cond3A_62 {
          %sub3A = arith.constant 1 : i32
          %sub3A_104 = arith.subi %mul3A_52, %sub3A : i32
          %dma_wait3A_105 = arith.constant 0 : i32
          %dma_wait3A_106 = tpu.memref_slice %arg8[%sub3A_104, %dma_wait3A_105] : memref<158x128xi32, #tpu.memory_space<vmem>> -> memref<1x128xi32, #tpu.memory_space<vmem>>
          %dma_wait3A_107 = tpu.memref_squeeze %dma_wait3A_106 : memref<1x128xi32, #tpu.memory_space<vmem>> -> memref<128xi32, #tpu.memory_space<vmem>>
          %dma_wait3A_108 = arith.constant 0 : i32
          %dma_wait3A_109 = arith.constant 0 : i32
          %dma_wait3A_110 = tpu.memref_slice %arg12[%dma_wait3A_108, %dma_wait3A_109] : memref<10240x64xbf16, #tpu.memory_space<vmem_shared>> -> memref<10240x64xbf16, #tpu.memory_space<vmem_shared>>
          tpu.wait_indirect_dma semaphore(%arg16 : memref<!tpu.dma_semaphore, #tpu.memory_space<semaphore_mem>>) src(%arg10 : memref<128x64xbf16, #tpu.memory_space<vmem>>) dst(%dma_wait3A_110 : memref<10240x64xbf16, #tpu.memory_space<vmem_shared>>)
        } else {
        }
        %add3A_63 = arith.constant 1 : i32
        %add3A_64 = arith.addi %mul3A_52, %add3A_63 : i32
        %dma_start3A_65 = arith.constant 0 : i32
        %dma_start3A_66 = tpu.memref_slice %arg7[%add3A_64, %dma_start3A_65] : memref<158x128xi32, #tpu.memory_space<vmem>> -> memref<1x128xi32, #tpu.memory_space<vmem>>
        %dma_start3A_67 = tpu.memref_squeeze %dma_start3A_66 : memref<1x128xi32, #tpu.memory_space<vmem>> -> memref<128xi32, #tpu.memory_space<vmem>>
        %dma_start3A_68 = arith.constant 0 : i32
        %dma_start3A_69 = arith.constant 0 : i32
        %dma_start3A_70 = tpu.memref_slice %arg3[%dma_start3A_68, %dma_start3A_69] : memref<10240x64xbf16, #tpu.memory_space<hbm>> -> memref<10240x64xbf16, #tpu.memory_space<hbm>>
        tpu.enqueue_indirect_dma source(%dma_start3A_70 : memref<10240x64xbf16, #tpu.memory_space<hbm>>) target(%arg10 : memref<128x64xbf16, #tpu.memory_space<vmem>>) offsets(%dma_start3A_67 : memref<128xi32, #tpu.memory_space<vmem>>) semaphore(%arg14 : memref<!tpu.dma_semaphore, #tpu.memory_space<semaphore_mem>>)
        %dma_start3A_71 = arith.constant 0 : i32
        %dma_start3A_72 = tpu.memref_slice %arg8[%mul3A_52, %dma_start3A_71] : memref<158x128xi32, #tpu.memory_space<vmem>> -> memref<1x128xi32, #tpu.memory_space<vmem>>
        %dma_start3A_73 = tpu.memref_squeeze %dma_start3A_72 : memref<1x128xi32, #tpu.memory_space<vmem>> -> memref<128xi32, #tpu.memory_space<vmem>>
        %dma_start3A_74 = arith.constant 0 : i32
        %dma_start3A_75 = arith.constant 0 : i32
        %dma_start3A_76 = tpu.memref_slice %arg12[%dma_start3A_74, %dma_start3A_75] : memref<10240x64xbf16, #tpu.memory_space<vmem_shared>> -> memref<10240x64xbf16, #tpu.memory_space<vmem_shared>>
        tpu.enqueue_indirect_dma source(%arg9 : memref<128x64xbf16, #tpu.memory_space<vmem>>) target(%dma_start3A_76 : memref<10240x64xbf16, #tpu.memory_space<vmem_shared>>) offsets(%dma_start3A_73 : memref<128xi32, #tpu.memory_space<vmem>>) semaphore(%arg15 : memref<!tpu.dma_semaphore, #tpu.memory_space<semaphore_mem>>) {add = true}
        %dma_wait3A_77 = arith.constant 0 : i32
        %dma_wait3A_78 = tpu.memref_slice %arg7[%add3A_64, %dma_wait3A_77] : memref<158x128xi32, #tpu.memory_space<vmem>> -> memref<1x128xi32, #tpu.memory_space<vmem>>
        %dma_wait3A_79 = tpu.memref_squeeze %dma_wait3A_78 : memref<1x128xi32, #tpu.memory_space<vmem>> -> memref<128xi32, #tpu.memory_space<vmem>>
        %dma_wait3A_80 = arith.constant 0 : i32
        %dma_wait3A_81 = arith.constant 0 : i32
        %dma_wait3A_82 = tpu.memref_slice %arg3[%dma_wait3A_80, %dma_wait3A_81] : memref<10240x64xbf16, #tpu.memory_space<hbm>> -> memref<10240x64xbf16, #tpu.memory_space<hbm>>
        tpu.wait_indirect_dma semaphore(%arg14 : memref<!tpu.dma_semaphore, #tpu.memory_space<semaphore_mem>>) src(%dma_wait3A_82 : memref<10240x64xbf16, #tpu.memory_space<hbm>>) dst(%arg10 : memref<128x64xbf16, #tpu.memory_space<vmem>>)
        %dma_wait3A_83 = arith.constant 0 : i32
        %dma_wait3A_84 = tpu.memref_slice %arg8[%mul3A_52, %dma_wait3A_83] : memref<158x128xi32, #tpu.memory_space<vmem>> -> memref<1x128xi32, #tpu.memory_space<vmem>>
        %dma_wait3A_85 = tpu.memref_squeeze %dma_wait3A_84 : memref<1x128xi32, #tpu.memory_space<vmem>> -> memref<128xi32, #tpu.memory_space<vmem>>
        %dma_wait3A_86 = arith.constant 0 : i32
        %dma_wait3A_87 = arith.constant 0 : i32
        %dma_wait3A_88 = tpu.memref_slice %arg12[%dma_wait3A_86, %dma_wait3A_87] : memref<10240x64xbf16, #tpu.memory_space<vmem_shared>> -> memref<10240x64xbf16, #tpu.memory_space<vmem_shared>>
        tpu.wait_indirect_dma semaphore(%arg15 : memref<!tpu.dma_semaphore, #tpu.memory_space<semaphore_mem>>) src(%arg9 : memref<128x64xbf16, #tpu.memory_space<vmem>>) dst(%dma_wait3A_88 : memref<10240x64xbf16, #tpu.memory_space<vmem_shared>>)
        %add3A_89 = arith.constant 2 : i32
        %add3A_90 = arith.addi %mul3A_52, %add3A_89 : i32
        %lt3A = arith.constant 158 : i32
        %lt3A_91 = arith.cmpi slt, %add3A_90, %lt3A : i32
        %convert_element_type3A_92 = arith.extui %lt3A_91 : i1 to i32
        %cond3A_93 = arith.constant 0 : i32
        %cond3A_94 = arith.cmpi ne, %convert_element_type3A_92, %cond3A_93 : i32
        scf.if %cond3A_94 {
          %add3A_104 = arith.constant 2 : i32
          %add3A_105 = arith.addi %mul3A_52, %add3A_104 : i32
          %dma_start3A_106 = arith.constant 0 : i32
          %dma_start3A_107 = tpu.memref_slice %arg7[%add3A_105, %dma_start3A_106] : memref<158x128xi32, #tpu.memory_space<vmem>> -> memref<1x128xi32, #tpu.memory_space<vmem>>
          %dma_start3A_108 = tpu.memref_squeeze %dma_start3A_107 : memref<1x128xi32, #tpu.memory_space<vmem>> -> memref<128xi32, #tpu.memory_space<vmem>>
          %dma_start3A_109 = arith.constant 0 : i32
          %dma_start3A_110 = arith.constant 0 : i32
          %dma_start3A_111 = tpu.memref_slice %arg3[%dma_start3A_109, %dma_start3A_110] : memref<10240x64xbf16, #tpu.memory_space<hbm>> -> memref<10240x64xbf16, #tpu.memory_space<hbm>>
          tpu.enqueue_indirect_dma source(%dma_start3A_111 : memref<10240x64xbf16, #tpu.memory_space<hbm>>) target(%arg9 : memref<128x64xbf16, #tpu.memory_space<vmem>>) offsets(%dma_start3A_108 : memref<128xi32, #tpu.memory_space<vmem>>) semaphore(%arg13 : memref<!tpu.dma_semaphore, #tpu.memory_space<semaphore_mem>>)
        } else {
        }
        %add3A_95 = arith.constant 1 : i32
        %add3A_96 = arith.addi %mul3A_52, %add3A_95 : i32
        %dma_start3A_97 = arith.constant 0 : i32
        %dma_start3A_98 = tpu.memref_slice %arg8[%add3A_96, %dma_start3A_97] : memref<158x128xi32, #tpu.memory_space<vmem>> -> memref<1x128xi32, #tpu.memory_space<vmem>>
        %dma_start3A_99 = tpu.memref_squeeze %dma_start3A_98 : memref<1x128xi32, #tpu.memory_space<vmem>> -> memref<128xi32, #tpu.memory_space<vmem>>
        %dma_start3A_100 = arith.constant 0 : i32
        %dma_start3A_101 = arith.constant 0 : i32
        %dma_start3A_102 = tpu.memref_slice %arg12[%dma_start3A_100, %dma_start3A_101] : memref<10240x64xbf16, #tpu.memory_space<vmem_shared>> -> memref<10240x64xbf16, #tpu.memory_space<vmem_shared>>
        tpu.enqueue_indirect_dma source(%arg10 : memref<128x64xbf16, #tpu.memory_space<vmem>>) target(%dma_start3A_102 : memref<10240x64xbf16, #tpu.memory_space<vmem_shared>>) offsets(%dma_start3A_99 : memref<128xi32, #tpu.memory_space<vmem>>) semaphore(%arg16 : memref<!tpu.dma_semaphore, #tpu.memory_space<semaphore_mem>>) {add = true}
        %scan3A_103 = arith.constant 0 : i32
        scf.yield %scan3A_103 : i32
      }
      %scan3A_42 = arith.constant 79 : i32
      %dma_wait3A = arith.constant 157 : i32
      %dma_wait3A_43 = arith.constant 0 : i32
      %dma_wait3A_44 = tpu.memref_slice %arg8[%dma_wait3A, %dma_wait3A_43] : memref<158x128xi32, #tpu.memory_space<vmem>> -> memref<1x128xi32, #tpu.memory_space<vmem>>
      %dma_wait3A_45 = tpu.memref_squeeze %dma_wait3A_44 : memref<1x128xi32, #tpu.memory_space<vmem>> -> memref<128xi32, #tpu.memory_space<vmem>>
      %dma_wait3A_46 = arith.constant 0 : i32
      %dma_wait3A_47 = arith.constant 0 : i32
      %dma_wait3A_48 = tpu.memref_slice %arg12[%dma_wait3A_46, %dma_wait3A_47] : memref<10240x64xbf16, #tpu.memory_space<vmem_shared>> -> memref<10240x64xbf16, #tpu.memory_space<vmem_shared>>
      tpu.wait_indirect_dma semaphore(%arg16 : memref<!tpu.dma_semaphore, #tpu.memory_space<semaphore_mem>>) src(%arg10 : memref<128x64xbf16, #tpu.memory_space<vmem>>) dst(%dma_wait3A_48 : memref<10240x64xbf16, #tpu.memory_space<vmem_shared>>)
    } else {
    }
    %barrier3A_29 = arith.constant 0 : index
    tpu.barrier barrier_id(%barrier3A_29)
    "tpu.region"() ({
      %run_scoped3A = tpu.sem_alloc : memref<!tpu.dma_semaphore, #tpu.memory_space<semaphore_mem>>
      %dma_start3A = arith.constant 0 : i32
      %dma_start3A_30 = tpu.memref_slice %arg6[%arg0, %mul3A_6, %dma_start3A] : memref<2x10240x64xbf16, #tpu.memory_space<hbm>> -> memref<1x640x64xbf16, #tpu.memory_space<hbm>>
      %dma_start3A_31 = tpu.memref_squeeze %dma_start3A_30 : memref<1x640x64xbf16, #tpu.memory_space<hbm>> -> memref<640x64xbf16, #tpu.memory_space<hbm>>
      %dma_start3A_32 = arith.constant 0 : i32
      %dma_start3A_33 = tpu.memref_slice %arg12[%mul3A_6, %dma_start3A_32] : memref<10240x64xbf16, #tpu.memory_space<vmem_shared>> -> memref<640x64xbf16, #tpu.memory_space<vmem_shared>>
      tpu.enqueue_dma source(%dma_start3A_33 : memref<640x64xbf16, #tpu.memory_space<vmem_shared>>) target(%dma_start3A_31 : memref<640x64xbf16, #tpu.memory_space<hbm>>) target_semaphore(%run_scoped3A : memref<!tpu.dma_semaphore, #tpu.memory_space<semaphore_mem>>)
      %dma_wait3A = arith.constant 0 : i32
      %dma_wait3A_34 = tpu.memref_slice %arg6[%arg0, %mul3A_6, %dma_wait3A] : memref<2x10240x64xbf16, #tpu.memory_space<hbm>> -> memref<1x640x64xbf16, #tpu.memory_space<hbm>>
      %dma_wait3A_35 = tpu.memref_squeeze %dma_wait3A_34 : memref<1x640x64xbf16, #tpu.memory_space<hbm>> -> memref<640x64xbf16, #tpu.memory_space<hbm>>
      %dma_wait3A_36 = arith.constant 0 : i32
      %dma_wait3A_37 = tpu.memref_slice %arg12[%mul3A_6, %dma_wait3A_36] : memref<10240x64xbf16, #tpu.memory_space<vmem_shared>> -> memref<640x64xbf16, #tpu.memory_space<vmem_shared>>
      tpu.wait_dma2 semaphore(%run_scoped3A : memref<!tpu.dma_semaphore, #tpu.memory_space<semaphore_mem>>) src(%dma_wait3A_37 : memref<640x64xbf16, #tpu.memory_space<vmem_shared>>) dst(%dma_wait3A_35 : memref<640x64xbf16, #tpu.memory_space<hbm>>)
      tpu.yield
    }) : () -> ()
    return
  }
}

module attributes {stable_mosaic.version = 14 : i64} {
  func.func @_h2_body(%arg0: memref<10240x128xf32, #tpu.memory_space<vmem>>, %arg1: memref<128x128xf32, #tpu.memory_space<vmem>>, %arg2: memref<1x128xf32, #tpu.memory_space<vmem>>, %arg3: memref<10240x2xf32, #tpu.memory_space<vmem>>, %arg4: memref<10240x64xbf16, #tpu.memory_space<vmem>>, %arg5: memref<10240x64xbf16, #tpu.memory_space<vmem>>, %arg6: memref<10240x1xf32, #tpu.memory_space<vmem>>) attributes {dimension_semantics = [], scalar_prefetch = 0 : i64, scratch_operands = 0 : i64, tpu.core_type = #tpu.core_type<tc>} {
    %get3A = arith.constant 0 : index
    %get3A_0 = arith.constant 0 : index
    %get3A_1 = vector.load %arg3[%get3A, %get3A_0] : memref<10240x2xf32, #tpu.memory_space<vmem>>, vector<10240x2xf32>
    %reduce_sum3A = arith.constant dense<0.000000e+00> : vector<10240xf32>
    %reduce_sum3A_2 = vector.multi_reduction <add>, %get3A_1, %reduce_sum3A [1] : vector<10240x2xf32> to vector<10240xf32>
    %broadcast_in_dim3A = vector.shape_cast %reduce_sum3A_2 : vector<10240xf32> to vector<10240x1xf32>
    %add3A = arith.constant 1.000000e+00 : f32
    %add3A_3 = vector.broadcast %add3A : f32 to vector<10240x1xf32>
    %add3A_4 = arith.addf %broadcast_in_dim3A, %add3A_3 : vector<10240x1xf32>
    %rsqrt3A = math.rsqrt %add3A_4 : vector<10240x1xf32>
    %get3A_5 = arith.constant 0 : index
    %get3A_6 = arith.constant 0 : index
    %get3A_7 = vector.load %arg0[%get3A_5, %get3A_6] : memref<10240x128xf32, #tpu.memory_space<vmem>>, vector<10240x128xf32>
    %get3A_8 = arith.constant 0 : index
    %get3A_9 = arith.constant 0 : index
    %get3A_10 = vector.load %arg1[%get3A_8, %get3A_9] : memref<128x128xf32, #tpu.memory_space<vmem>>, vector<128x128xf32>
    %dot_general3A = arith.constant dense<0.000000e+00> : vector<10240x128xf32>
    %dot_general3A_11 = tpu.matmul %get3A_7, %get3A_10, %dot_general3A {dimension_numbers = #tpu.dot_dimension_numbers<[1], [0], [0], [1], [0, 0, 1, 1], [], []>, transpose_lhs_hint = false} : vector<10240x128xf32>, vector<128x128xf32>, vector<10240x128xf32> -> vector<10240x128xf32>
    %get3A_12 = arith.constant 0 : index
    %get3A_13 = arith.constant 0 : index
    %get3A_14 = vector.load %arg2[%get3A_12, %get3A_13] : memref<1x128xf32, #tpu.memory_space<vmem>>, vector<1x128xf32>
    %add3A_15 = vector.broadcast %get3A_14 : vector<1x128xf32> to vector<10240x128xf32>
    %add3A_16 = arith.addf %dot_general3A_11, %add3A_15 : vector<10240x128xf32>
    %mul3A = vector.broadcast %rsqrt3A : vector<10240x1xf32> to vector<10240x128xf32>
    %mul3A_17 = arith.mulf %add3A_16, %mul3A : vector<10240x128xf32>
    %slice3A = vector.extract_strided_slice %mul3A_17 {offsets = [0, 0], sizes = [10240, 64], strides = [1, 1]} : vector<10240x128xf32> to vector<10240x64xf32>
    %convert_element_type3A = arith.truncf %slice3A : vector<10240x64xf32> to vector<10240x64xbf16>
    %swap3A = arith.constant 0 : index
    %swap3A_18 = arith.constant 0 : index
    %swap3A_19 = vector.load %arg4[%swap3A, %swap3A_18] : memref<10240x64xbf16, #tpu.memory_space<vmem>>, vector<10240x64xbf16>
    tpu.vector_store %arg4[%swap3A, %swap3A_18], %convert_element_type3A {strides = array<i32>} : memref<10240x64xbf16, #tpu.memory_space<vmem>>, vector<10240x64xbf16>,
    %slice3A_20 = vector.extract_strided_slice %mul3A_17 {offsets = [0, 64], sizes = [10240, 64], strides = [1, 1]} : vector<10240x128xf32> to vector<10240x64xf32>
    %convert_element_type3A_21 = arith.truncf %slice3A_20 : vector<10240x64xf32> to vector<10240x64xbf16>
    %swap3A_22 = arith.constant 0 : index
    %swap3A_23 = arith.constant 0 : index
    %swap3A_24 = vector.load %arg5[%swap3A_22, %swap3A_23] : memref<10240x64xbf16, #tpu.memory_space<vmem>>, vector<10240x64xbf16>
    tpu.vector_store %arg5[%swap3A_22, %swap3A_23], %convert_element_type3A_21 {strides = array<i32>} : memref<10240x64xbf16, #tpu.memory_space<vmem>>, vector<10240x64xbf16>,
    %swap3A_25 = arith.constant 0 : index
    %swap3A_26 = arith.constant 0 : index
    %swap3A_27 = vector.load %arg6[%swap3A_25, %swap3A_26] : memref<10240x1xf32, #tpu.memory_space<vmem>>, vector<10240x1xf32>
    tpu.vector_store %arg6[%swap3A_25, %swap3A_26], %rsqrt3A {strides = array<i32>} : memref<10240x1xf32, #tpu.memory_space<vmem>>, vector<10240x1xf32>,
    return
  }
}

module attributes {stable_mosaic.version = 14 : i64} {
  func.func @_final_body(%arg0: memref<2x10240x64xbf16, #tpu.memory_space<vmem>>, %arg1: memref<10240x64xbf16, #tpu.memory_space<vmem>>, %arg2: memref<10240x64xbf16, #tpu.memory_space<vmem>>, %arg3: memref<10240x1xf32, #tpu.memory_space<vmem>>, %arg4: memref<10240x128xf32, #tpu.memory_space<vmem>>) attributes {dimension_semantics = [], scalar_prefetch = 0 : i64, scratch_operands = 0 : i64, tpu.core_type = #tpu.core_type<tc>} {
    %get3A = arith.constant 0 : index
    %get3A_0 = arith.constant 0 : index
    %get3A_1 = vector.load %arg3[%get3A, %get3A_0] : memref<10240x1xf32, #tpu.memory_space<vmem>>, vector<10240x1xf32>
    %get3A_2 = arith.constant 0 : index
    %get3A_3 = arith.constant 0 : index
    %get3A_4 = arith.constant 0 : index
    %get3A_5 = vector.load %arg0[%get3A_2, %get3A_3, %get3A_4] : memref<2x10240x64xbf16, #tpu.memory_space<vmem>>, vector<1x10240x64xbf16>
    %get3A_6 = vector.shape_cast %get3A_5 : vector<1x10240x64xbf16> to vector<10240x64xbf16>
    %convert_element_type3A = arith.extf %get3A_6 : vector<10240x64xbf16> to vector<10240x64xf32>
    %get3A_7 = arith.constant 0 : index
    %get3A_8 = arith.constant 0 : index
    %get3A_9 = vector.load %arg1[%get3A_7, %get3A_8] : memref<10240x64xbf16, #tpu.memory_space<vmem>>, vector<10240x64xbf16>
    %convert_element_type3A_10 = arith.extf %get3A_9 : vector<10240x64xbf16> to vector<10240x64xf32>
    %add3A = arith.addf %convert_element_type3A, %convert_element_type3A_10 : vector<10240x64xf32>
    %mul3A = vector.broadcast %get3A_1 : vector<10240x1xf32> to vector<10240x64xf32>
    %mul3A_11 = arith.mulf %mul3A, %add3A : vector<10240x64xf32>
    %max3A = arith.constant 0.000000e+00 : f32
    %max3A_12 = vector.broadcast %max3A : f32 to vector<10240x64xf32>
    %max3A_13 = arith.maximumf %mul3A_11, %max3A_12 : vector<10240x64xf32>
    %swap3A = arith.constant 0 : index
    %swap3A_14 = arith.constant 0 : index
    %swap3A_15 = vector.load %arg4[%swap3A, %swap3A_14] : memref<10240x128xf32, #tpu.memory_space<vmem>>, vector<10240x64xf32>
    tpu.vector_store %arg4[%swap3A, %swap3A_14], %max3A_13 {strides = array<i32>} : memref<10240x128xf32, #tpu.memory_space<vmem>>, vector<10240x64xf32>,
    %get3A_16 = arith.constant 1 : index
    %get3A_17 = arith.constant 0 : index
    %get3A_18 = arith.constant 0 : index
    %get3A_19 = vector.load %arg0[%get3A_16, %get3A_17, %get3A_18] : memref<2x10240x64xbf16, #tpu.memory_space<vmem>>, vector<1x10240x64xbf16>
    %get3A_20 = vector.shape_cast %get3A_19 : vector<1x10240x64xbf16> to vector<10240x64xbf16>
    %convert_element_type3A_21 = arith.extf %get3A_20 : vector<10240x64xbf16> to vector<10240x64xf32>
    %get3A_22 = arith.constant 0 : index
    %get3A_23 = arith.constant 0 : index
    %get3A_24 = vector.load %arg2[%get3A_22, %get3A_23] : memref<10240x64xbf16, #tpu.memory_space<vmem>>, vector<10240x64xbf16>
    %convert_element_type3A_25 = arith.extf %get3A_24 : vector<10240x64xbf16> to vector<10240x64xf32>
    %add3A_26 = arith.addf %convert_element_type3A_21, %convert_element_type3A_25 : vector<10240x64xf32>
    %mul3A_27 = vector.broadcast %get3A_1 : vector<10240x1xf32> to vector<10240x64xf32>
    %mul3A_28 = arith.mulf %mul3A_27, %add3A_26 : vector<10240x64xf32>
    %max3A_29 = arith.constant 0.000000e+00 : f32
    %max3A_30 = vector.broadcast %max3A_29 : f32 to vector<10240x64xf32>
    %max3A_31 = arith.maximumf %mul3A_28, %max3A_30 : vector<10240x64xf32>
    %swap3A_32 = arith.constant 0 : index
    %swap3A_33 = arith.constant 64 : index
    %swap3A_34 = vector.load %arg4[%swap3A_32, %swap3A_33] : memref<10240x128xf32, #tpu.memory_space<vmem>>, vector<10240x64xf32>
    tpu.vector_store %arg4[%swap3A_32, %swap3A_33], %max3A_31 {strides = array<i32>} : memref<10240x128xf32, #tpu.memory_space<vmem>>, vector<10240x64xf32>,
    return
  }
}

</mosaic_0001>

<sc_bundles>
// kernel: kernel.6.cloned.1.call-start
scs
__scs_entry_jumppad:
0x0: {  	(pc) =	sbr.rel $0x88, $3  }
0x1: {  	(tag) =	ssettag $0x0;
	lr =	simm.s32 $0x1  }
0x2: {  	[smem:$0x3F9D] =	sst lr;
	_ =	strace $0xD0000000  }
0x3: {  	_ = 	snop  }
0x4: {  	_ = 	snop  }
0x5: {  	_ = 	snop  }
0x6: {  	_ = 	snop  }
0x7: {  	_ = 	snop  }
__scs_overlays_trampoline_lowered:
0x8: {  	[smem:$0x3FAC] =	sst s0  }
0x9: {  	[smem:$0x3FAD] =	sst s1  }
0xa: {  	[smem:$0x3FAE] =	sst s2  }
0xb: {  	[smem:$0x3FAF] =	sst s3  }
0xc: {  	[smem:$0x3FB0] =	sst s4  }
0xd: {  	[smem:$0x3FB1] =	sst s5  }
0xe: {  	[smem:$0x3FB2] =	sst s6  }
0xf: {  	[smem:$0x3FB3] =	sst s7  }
0x10: {  	[smem:$0x3FB4] =	sst s8  }
0x11: {  	[smem:$0x3FB5] =	sst s9;
	s0 =	simm.s32 @!p0 $0x0  }
0x12: {  	s1 =	sld [smem:$0x3F9B];
	s0 =	simm.s32 @p0 $0x1  }
0x13: {  	[smem:$0x3FB6] =	sst s0;
	s0 =	simm.s32 @!p1 $0x0  }
0x14: {  	s2 =	sld [smem:$0x3F9A];
	s0 =	simm.s32 @p1 $0x1  }
0x15: {  	[smem:$0x3FB7] =	sst s0;
	s0 =	simm.s32 @!p2 $0x0  }
0x16: {  	s3 =	sld [smem:$0x3FDB];
	s0 =	simm.s32 @p2 $0x1  }
0x17: {  	s4 =	simm.s32 $0x1BF5;
	[smem:$0x3FB9] =	sst s0  }
0x18: {  	s0 =	sld [smem:$0x3F9C];
	_ =	swait.ge [sflag:s4], $0x0  }
0x19: {  	s7 =	sld [smem:$0x3F9D]  }
0x1a: {  	s8 =	sadd.s32 $0xFFFFE003, lr  }
0x1b: {  	s9 =	sadd.s32 $0xFFFFFEF7, lr;
	s5 =	simm.s32 $0xFFFFFFFF;
	p2 =	slt.u32 s8, $0xFFFFF086  }
0x1c: {  	p1 =	slt.u32 s9, $0xF7A;
	s5 =	simm.s32 @!p2 $0x0  }
0x1d: {  	s5 =	simm.s32 @p1 $0x1;
	p0 =	seq.s32 s7, s2  }
0x1e: {  	s7 =	smul.u32 @!p0 $0xF7A, s2;
	p2 =	seq.s32 @!p0 s5, $0x0  }
0x1f: {  	s9 =	smul.u32 $0xF7A, s1;
	s8 =	simm.s32 @!p0 $0x1BF5;
	p2 =	por !p2, p0  }
0x20: {  	[sflag:s8] =	ssyncset.s32 @!p0 $0xFFFFF086;
	s6 =	sadd.s32 @!p0 s3, s7;
	s7 =	simm.s32 @!p0 $0x108  }
0x21: {  	s3 =	sadd.s32 s3, s9;
	s6 =	sadd.s32 @!p0 $0x88, s6;
	s7 =	simm.s32 @p2 $0x1082  }
0x22: {  	[simem:s7], [sflag:s8] =	dma.local @!p0 [hbm:s6], $0xF7A  }
0x23: {  	s9 =	sor.u32 $0xD0000000, s2;
	s6 =	simm.s32 $0x108;
	_ =	swait.ge @!p0 [sflag:s8], $0x0  }
0x24: {  	s3 =	sadd.s32 $0x88, s3;
	s6 =	simm.s32 @!p1 $0x1082;
	[sflag:s4] =	ssyncset.s32 $0xFFFFF086  }
0x25: {  	[simem:s6], [sflag:s4] =	dma.local [hbm:s3], $0xF7A  }
0x26: {  	[smem:$0x3F9D] =	sst s1;
	(tag) =	ssettag s2;
	_ =	strace s9  }
0x27: {  	s1 =	sld [smem:$0x3FAD]  }
0x28: {  	s2 =	sld [smem:$0x3FAE]  }
0x29: {  	s4 =	sld [smem:$0x3FB0]  }
0x2a: {  	p0 =	seq.s32 s5, $0x0;
	s5 =	sld [smem:$0x3FB1]  }
0x2b: {  	s6 =	sld [smem:$0x3FB2]  }
0x2c: {  	s7 =	sld [smem:$0x3FB3]  }
0x2d: {  	s3 =	simm.s32 $0x108;
	s8 =	sld [smem:$0x3FB4]  }
0x2e: {  	s3 =	simm.s32 @!p0 $0x1082;
	s9 =	sld [smem:$0x3FB5]  }
0x2f: {  	lr =	sadd.s32 s0, s3;
	s0 =	sld [smem:$0x3FAC]  }
0x30: {  	s3 =	sld [smem:$0x3FAF]  }
0x31: {  	[smem:$0x3FB8] =	sst s10  }
0x32: {  	s10 =	sld [smem:$0x3FB6];
	_ =	sdelay $0x3  }
0x33: {  	p0 =	seq.s32 s10, $0x1;
	s10 =	sld [smem:$0x3FB8];
	_ =	sdelay $0x3  }
0x34: {  	[smem:$0x3FB8] =	sst s10  }
0x35: {  	s10 =	sld [smem:$0x3FB7];
	_ =	sdelay $0x3  }
0x36: {  	p1 =	seq.s32 s10, $0x1;
	s10 =	sld [smem:$0x3FB8];
	_ =	sdelay $0x3  }
0x37: {  	[smem:$0x3FB8] =	sst s10  }
0x38: {  	s10 =	sld [smem:$0x3FB9]  }
0x39: {  	_ = 	snop;
	(pc) =	sbr.ind lr, $3  }
0x3a: {  	_ = 	snop  }
0x3b: {  	_ = 	snop  }
0x3c: {  	p2 =	seq.s32 s10, $0x1;
	s10 =	sld [smem:$0x3FB8]  }
0x3d: {  	_ =	shalt  }
0x3e: {  	_ =	shalt  }
0x3f: {  	_ =	shalt  }
0x40: {  	_ =	shalt  }
0x41: {  	_ =	shalt  }
0x42: {  	_ =	shalt  }
0x43: {  	_ =	shalt  }
0x44: {  	_ =	shalt  }
0x45: {  	_ =	shalt  }
0x46: {  	_ =	shalt  }
0x47: {  	_ =	shalt  }
0x48: {  	_ =	shalt  }
0x49: {  	_ =	shalt  }
0x4a: {  	_ =	shalt  }
0x4b: {  	_ =	shalt  }
0x4c: {  	_ =	shalt  }
0x4d: {  	_ =	shalt  }
0x4e: {  	_ =	shalt  }
0x4f: {  	_ =	shalt  }
0x50: {  	_ =	shalt  }
0x51: {  	_ =	shalt  }
0x52: {  	_ =	shalt  }
0x53: {  	_ =	shalt  }
0x54: {  	_ =	shalt  }
0x55: {  	_ =	shalt  }
0x56: {  	_ =	shalt  }
0x57: {  	_ =	shalt  }
0x58: {  	_ =	shalt  }
0x59: {  	_ =	shalt  }
0x5a: {  	_ =	shalt  }
0x5b: {  	_ =	shalt  }
0x5c: {  	_ =	shalt  }
0x5d: {  	_ =	shalt  }
0x5e: {  	_ =	shalt  }
0x5f: {  	_ =	shalt  }
0x60: {  	_ =	shalt  }
0x61: {  	_ =	shalt  }
0x62: {  	_ =	shalt  }
0x63: {  	_ =	shalt  }
0x64: {  	_ =	shalt  }
0x65: {  	_ =	shalt  }
0x66: {  	_ =	shalt  }
0x67: {  	_ =	shalt  }
0x68: {  	_ =	shalt  }
0x69: {  	_ =	shalt  }
0x6a: {  	_ =	shalt  }
0x6b: {  	_ =	shalt  }
0x6c: {  	_ =	shalt  }
0x6d: {  	_ =	shalt  }
0x6e: {  	_ =	shalt  }
0x6f: {  	_ =	shalt  }
0x70: {  	_ =	shalt  }
0x71: {  	_ =	shalt  }
0x72: {  	_ =	shalt  }
0x73: {  	_ =	shalt  }
0x74: {  	_ =	shalt  }
0x75: {  	_ =	shalt  }
0x76: {  	_ =	shalt  }
0x77: {  	_ =	shalt  }
0x78: {  	_ =	shalt  }
0x79: {  	_ =	shalt  }
0x7a: {  	_ =	shalt  }
0x7b: {  	_ =	shalt  }
0x7c: {  	_ =	shalt  }
0x7d: {  	_ =	shalt  }
0x7e: {  	_ =	shalt  }
0x7f: {  	_ =	shalt  }
0x80: {  	_ =	shalt  }
0x81: {  	_ =	shalt  }
0x82: {  	_ =	shalt  }
0x83: {  	_ =	shalt  }
0x84: {  	_ =	shalt  }
0x85: {  	_ =	shalt  }
0x86: {  	_ =	shalt  }
0x87: {  	_ =	shalt  }
.Lfunc_end0:
.L_simem_size_0:
called_computation_lowered:
.L_overlay_start_0:
0x88: {  	s2 =	sld [smem:$0x3FD9]  }
0x89: {  	s3 =	sld [smem:$0x3FFE];
	_ =	sdelay $0x1  }
0x8a: {  	s1 =	srdreg.scid  }
0x8b: {  	s0 =	sand.u32 $0x1, s1  }
0x8c: {  	s17 =	sshll.u32 s0, $0xA;
	s2 =	sadd.s32 s3, s2  }
0x8d: {  	s2 =	sadd.s32 s2, s17  }
0x8e: {  	[smem:$0x3FC4] =	sst s2  }
0x8f: {  	_ = 	snop  }
0x90: {  	s2 =	sld [smem:$0x3FD0];
	(tm) =	ssettm $0x1  }
0x91: {  	s18 =	sld [smem:$0x3FFB];
	_ =	sdelay $0x3  }
0x92: {  	_ =	strace s18  }
0x93: {  	s3 =	sld [smem:$0x3FFC];
	_ =	sdelay $0x3  }
0x94: {  	_ =	strace s3  }
0x95: {  	s3 =	sld [smem:$0x3FFD];
	_ =	sdelay $0x3  }
0x96: {  	_ =	strace s3  }
0x97: {  	_ =	strace $0x8FFFFFFF  }
0x98: {  	s19 =	sld [smem:$0x3FDB];
	_ =	sdelay $0x1  }
0x99: {  	s4 =	simm.s32 $_scs_section_size  }
0x9a: {  	s5 =	simm.s32 $_size__tile_overlayer_lowered;
	s6 =	simm.s32 $_tile_overlayer_lowered  }
0x9b: {  	s22 =	simm.s32 $0x1BFF;
	s21 =	sshll.u32 s6, $0x1;
	s3 =	sadd.s32 s4, s19  }
0x9c: {  	s7 =	simm.s32 $0x0;
	s20 =	sshll.u32 s5, $0x1;
	s5 =	sadd.s32 s21, s3  }
0x9d: {  	[timem:s7], [sflag:s22] =	dma.local [hbm:s5], s20  }
0x9e: {  	_ =	swait.ge [sflag:s22], s20  }
0x9f: {  	s4 =	ssub.s32 $0x0, s20;
	[sflag:s22] =	ssyncset.done $0x0  }
0xa0: {  	[sflag:s22] =	ssyncadd.s32 s4;
	_ =	sdelay $0x1  }
0xa1: {  	s23 =	simm.s32 $0x1B8B  }
0xa2: {  	_ =	swait.ge [sflag:s23], $0x1  }
0xa3: {  	[sflag:s23] =	ssyncset.done $0x0  }
0xa4: {  	s25 =	simm.s32 $0x1B8E;
	s24 =	sld [smem:$0x3FFE];
	[sflag:s23] =	ssyncadd.s32 $0xFFFFFFFF  }
0xa5: {  	s26 =	simm.s32 $execute0_lowered;
	[smem:$0x3FD2] =	sst s25  }
0xa6: {  	s5 =	sshll.u32 s26, $0x1;
	_ =	strace $0x80000046;
	[dreg:$0x1] =	wrdreg $0xFFFFFFFF  }
0xa7: {  	s28 =	simm.s32 $_size_execute0_lowered;
	s3 =	sadd.s32 s3, s5;
	[dreg:$0x0] =	wrdreg $0x0  }
0xa8: {  	s5 =	sshll.u32 s28, $0x1;
	[dreg:$0x2] =	wrdreg s3  }
0xa9: {  	[dreg:$0x3] =	wrdreg s5  }
0xaa: {  	[dreg:$0x4] =	wrdreg $0xC0  }
0xab: {  	_ =	task [dreg:s7], $0x5FFFF  }
0xac: {  	[dreg:$0x1] =	wrdreg $0xFFFFFFFF  }
0xad: {  	[dreg:$0x0] =	wrdreg $0x60  }
0xae: {  	[dreg:$0x2] =	wrdreg s2  }
0xaf: {  	[dreg:$0x3] =	wrdreg s24  }
0xb0: {  	[dreg:$0x4] =	wrdreg $0x2B000  }
0xb1: {  	[dreg:$0x5] =	wrdreg $0x9  }
0xb2: {  	_ =	task.clear_ibuf [dreg:s7], $0x6FFFF;
	_ =	strace $0x90000046  }
0xb3: {  	s29 =	simm.s32 $0x9;
	_ =	strace $0x80000048  }
0xb4: {  	_ =	swait.ge [sflag:s29], $0x1  }
0xb5: {  	[sflag:s29] =	ssyncadd.s32 $0xFFFFFFFF  }
0xb6: {  	_ =	strace $0x90000048  }
0xb7: {  	_ =	sfence  }
0xb8: {  	s30 =	sld [smem:$0x0];
	_ =	sdelay $0x2  }
0xb9: {  	s31 =	sshll.u32 s1, $0xD;
	s1 =	sshrl.u32 s1, $0x2  }
0xba: {  	s3 =	sand.u32 $0x4000, s31;
	s1 =	sadd.s32 s1, s30  }
0xbb: {  	s0 =	sor.u32 s3, s0;
	s1 =	sshll.u32 s1, $0x11  }
0xbc: {  	s0 =	sor.u32 s1, s0  }
0xbd: {  	s0 =	sadd.s32 $0x8F2B, s0  }
0xbe: {  	[sflag:s0] =	ssyncadd.remote.s32 $0x1  }
0xbf: {  	_ =	sfence.sel $0xFFFF  }
0xc0: {  	[dreg:$0x0] =	wrdreg $0xFFFFFFFF;
	(pc) =	sbr.abs _section_cstart, $3  }
0xc1: {  	[dreg:$0x1] =	wrdreg $0xFFFFFFFF  }
0xc2: {  	_ =	task.clear_ibuf [dreg:s7], $0x2FFFF;
	_ =	strace $0x9FFFFFFF  }
0xc3: {  	(tm) =	ssettm $0x7FFFFFFF  }
tec
execute0_lowered:
.L_overlay_start_1:
0x0: {  	(tag) =	ssettag $0x1  }
0x1: {  	s4 =	rddreg [dreg:$0x0]  }
0x2: {  	s5 =	rddreg [dreg:$0x1]  }
0x3: {  	s2 =	rddreg [dreg:$0x2]  }
0x4: {  	s0 =	rddreg [dreg:$0x3]  }
0x5: {  	s3 =	simm.s32 $0x0;
	s6 =	srdreg.scid;
	s1 =	stileid.u32  }
0x6: {  	s11 =	simm.s32 $0x2800;
	s14 =	simm.s32 $0x20;
	s15 =	simm.s32 $0x10  }
0x7: {  	s16 =	simm.s32 $0x0;
	[smem:$0x7FF] =	sst s3;
	s7 =	smul.u32 $0x500, s1  }
0x8: {  	s6 =	sand.u32 $0x1, s6;
	s30 =	smul.u32 $0xA00, s1;
	s12 =	sshll.u32 s1, $0x6  }
0x9: {  	_ =	strace $0x80000047;
	s8 =	sshll.u32 s6, $0x7;
	s9 =	sshll.u32 s6, $0x4  }
0xa: {  	s6 =	ssub.s32 $0x2, s6;
	s12 =	sor.u32 $0x1C01, s12;
	s7 =	sor.u32 s8, s7  }
0xb: {  	s29 =	sor.u32 s1, s9;
	s31 =	sshrl.u32 s6, $0x1;
	s9 =	sshrl.u32 s30, $0x2  }
0xc: {  	s7 =	sshrl.u32 s7, $0x3;
	s8 =	smul.u32 $0x500, s29;
	s10 =	ssub.s32 s6, s31  }
0xd: {  	s7 =	sadd.s32 s7, s5;
	s5 =	sadd.s32 s9, s2;
	s9 =	simm.s32 $0x2880  }
0xe: {  	s4 =	sadd.s32 s4, s8;
	s6 =	sadd.s32 $0xAE00, s7;
	s7 =	smax.u32 s10, $0x1  }
0xf: {  	v0 =	vimm.f32 $1.000000000e+00;
	v1 =	vimm.f32 $0.0e+00;
	s8 =	simm.s32 $0x1;
	s10 =	simm.s32 $0x80;
	s13 =	sshrl.u32 s5, $0x3  }
.LBB2_1:
0x10: {  	[tilespmem:s3], [sflag:$0x1] =	stream.linear.gather [hbm4b:s4+s3], $0x2780, $0x38;
	[tilespmem:$0x2D80] =	vst v63  }
0x11: {  	_ =	swait.ge [sflag:s8], $0x2780  }
0x12: {  	[sflag:s8] =	ssyncset.done $0x0  }
0x13: {  	[sflag:s8] =	ssyncadd.s32 $0xFFFFD880  }
0x14: {  	[tilespmem:$0x2800] =	vst v0  }
0x15: {  	[tilespmem:$0x2810] =	vst v0  }
0x16: {  	[tilespmem:$0x2820] =	vst v0  }
0x17: {  	[tilespmem:$0x2830] =	vst v0  }
0x18: {  	[tilespmem:$0x2840] =	vst v0  }
0x19: {  	[tilespmem:$0x2850] =	vst v0  }
0x1a: {  	[tilespmem:$0x2860] =	vst v0  }
0x1b: {  	[tilespmem:$0x2870] =	vst v0  }
0x1c: {  	[tilespmem:$0x2880] =	vst v1  }
0x1d: {  	[tilespmem:$0x2890] =	vst v1  }
0x1e: {  	[tilespmem:$0x28A0] =	vst v1  }
0x1f: {  	[tilespmem:$0x28B0] =	vst v1  }
0x20: {  	[tilespmem:$0x28C0] =	vst v1  }
0x21: {  	[tilespmem:$0x28D0] =	vst v1  }
0x22: {  	[tilespmem:$0x28E0] =	vst v1  }
0x23: {  	[tilespmem:$0x28F0] =	vst v1  }
0x24: {  	[tilespmem:$0x2900] =	vst v1  }
0x25: {  	[tilespmem:$0x2910] =	vst v1  }
0x26: {  	[tilespmem:$0x2920] =	vst v1  }
0x27: {  	[tilespmem:$0x2930] =	vst v1  }
0x28: {  	[tilespmem:$0x2940] =	vst v1  }
0x29: {  	[tilespmem:$0x2950] =	vst v1  }
0x2a: {  	[tilespmem:$0x2960] =	vst v1  }
0x2b: {  	[tilespmem:$0x2970] =	vst v1  }
0x2c: {  	[tilespmem:$0x2980] =	vst v1  }
0x2d: {  	[tilespmem:$0x2990] =	vst v1  }
0x2e: {  	[tilespmem:$0x29A0] =	vst v1  }
0x2f: {  	[tilespmem:$0x29B0] =	vst v1  }
0x30: {  	[tilespmem:$0x29C0] =	vst v1  }
0x31: {  	[tilespmem:$0x29D0] =	vst v1  }
0x32: {  	[tilespmem:$0x29E0] =	vst v1  }
0x33: {  	[tilespmem:$0x29F0] =	vst v1  }
0x34: {  	[tilespmem:$0x2A00] =	vst v1  }
0x35: {  	[tilespmem:$0x2A10] =	vst v1  }
0x36: {  	[tilespmem:$0x2A20] =	vst v1  }
0x37: {  	[tilespmem:$0x2A30] =	vst v1  }
0x38: {  	[tilespmem:$0x2A40] =	vst v1  }
0x39: {  	[tilespmem:$0x2A50] =	vst v1  }
0x3a: {  	[tilespmem:$0x2A60] =	vst v1  }
0x3b: {  	[tilespmem:$0x2A70] =	vst v1  }
0x3c: {  	[tilespmem:$0x2A80] =	vst v1  }
0x3d: {  	[tilespmem:$0x2A90] =	vst v1  }
0x3e: {  	[tilespmem:$0x2AA0] =	vst v1  }
0x3f: {  	[tilespmem:$0x2AB0] =	vst v1  }
0x40: {  	[tilespmem:$0x2AC0] =	vst v1  }
0x41: {  	[tilespmem:$0x2AD0] =	vst v1  }
0x42: {  	[tilespmem:$0x2AE0] =	vst v1  }
0x43: {  	[tilespmem:$0x2AF0] =	vst v1  }
0x44: {  	[spmem:s5] =	stream.linear.scatter [tilespmem:s9], [sflag:$0x1], $0x280, $0x38;
	[tilespmem:$0x2D80] =	vst v63  }
0x45: {  	_ =	swait.ge [sflag:s8], $0x280  }
0x46: {  	[sflag:s8] =	ssyncset.done $0x0  }
0x47: {  	[sflag:s8] =	ssyncadd.s32 $0xFFFFFD80  }
0x48: {  	s17 =	simm.s32 $0x0;
	[bflag:$0x0] =	sbarrier.arrive $0xFFFF  }
0x49: {  	[spmem:s2] =	stream.indirect.scatter.add.f32 [tilespmem:s11], [sflag:$0x1], $0x1, s17, s10, $0xb8;
	[tilespmem:$0x2D80] =	vst v63  }
0x4a: {  	_ =	swait.ge [sflag:s8], $0x80  }
0x4b: {  	s17 =	simm.s32 $0x200;
	[sflag:s8] =	ssyncset.done $0x0  }
.LBB2_2:
0x4c: {  	s18 =	sshra.s32 s17, $0x2;
	[sflag:s8] =	ssyncadd.s32 $0xFFFFFF80;
	p0 =	sne.s32 s17, $0x9C00  }
0x4d: {  	[spmem:s2] =	stream.indirect.scatter.add.f32 [tilespmem:s11], [sflag:$0x1], $0x1, s18, s10, $0xb8;
	[tilespmem:$0x2D80] =	vst v63  }
.Ltmp0:
0x4e: {  	_ = 	snop;
	(pc) =	sbr.rel @p0 .LBB2_2-.Ltmp0, $4  }
0x4f: {  	_ = 	snop  }
0x50: {  	s17 =	sadd.s32 $0x200, s17  }
0x51: {  	_ =	swait.ge [sflag:s8], $0x80  }
0x52: {  	[sflag:s8] =	ssyncset.done $0x0  }
0x53: {  	s16 =	sadd.s32 $0x1, s16  }
0x54: {  	[sflag:s8] =	ssyncadd.s32 $0xFFFFFF80;
	p0 =	sne.s32 s16, s7  }
.Ltmp1:
0x55: {  	[bflag:$0x0] =	sbarrier.arrive $0xFFFF;
	(pc) =	sbr.rel @p0 .LBB2_1-.Ltmp1, $4  }
0x56: {  	[hbm:s6@s14], [sflag:s12] =	dma.strided [spmem:s13@s15], $0x50, s8, $0x10   }
0x57: {  	_ =	swait.ge [sflag:s8], $0x50  }
0x58: {  	[sflag:s8] =	ssyncset.done $0x0  }
0x59: {  	[sflag:s8] =	ssyncadd.s32 $0xFFFFFFB0  }
0x5a: {  	_ =	sfence.sel $0x180000  }
0x5b: {  	[bflag:$0x0] =	sbarrier.arrive $0xFFFF  }
0x5c: {  	p0 =	sne.s32 s1, $0x0;
	_ =	strace $0x90000047  }
0x5d: {  	s0 =	sadd.s32 @!p0 $0x100000, s0;
	[bflag:$0x2] =	sbarrier.arrive $0xFFFF  }
0x5e: {  	[sflag:s0] =	ssyncadd.tile.s32 @!p0 $0x1;
	_ =	shalt  }
.Lfunc_end2:
_tile_overlayer_lowered:
.L_overlay_start_2:
0x5f: {  	(tag) =	ssettag $0x2  }
0x60: {  	s0 =	rddreg [dreg:$0x0];
	s2 =	stileid.u32  }
0x61: {  	s1 =	rddreg [dreg:$0x1];
	p0 =	sne.s32 s2, $0x0  }
0x62: {  	s3 =	rddreg [dreg:$0x2];
	[bflag:$0x3] =	sbarrier.arrive $0xFFFF;
	s2 =	simm.s32 @!p0 $0x1C01  }
0x63: {  	[timem:s3], [sflag:s2] =	dma.local @!p0 [hbm:s0], s1  }
0x64: {  	s0 =	simm.s32 @!p0 $0x1  }
0x65: {  	_ =	swait.ge @!p0 [sflag:s0], s1  }
0x66: {  	s1 =	ssub.s32 @!p0 $0x0, s1;
	[sflag:s0] =	ssyncset.done @!p0 $0x0  }
0x67: {  	[sflag:s0] =	ssyncadd.s32 @!p0 s1  }
0x68: {  	[bflag:$0x3] =	sbarrier.arrive $0xFFFF  }
0x69: {  	_ =	shalt  }

// kernel: kernel.9.cloned.1.call-start
scs
__scs_entry_jumppad:
0x0: {  	(pc) =	sbr.rel $0x88, $3  }
0x1: {  	(tag) =	ssettag $0x0;
	lr =	simm.s32 $0x1  }
0x2: {  	[smem:$0x3F9D] =	sst lr;
	_ =	strace $0xD0000000  }
0x3: {  	_ = 	snop  }
0x4: {  	_ = 	snop  }
0x5: {  	_ = 	snop  }
0x6: {  	_ = 	snop  }
0x7: {  	_ = 	snop  }
__scs_overlays_trampoline_lowered:
0x8: {  	[smem:$0x3FAC] =	sst s0  }
0x9: {  	[smem:$0x3FAD] =	sst s1  }
0xa: {  	[smem:$0x3FAE] =	sst s2  }
0xb: {  	[smem:$0x3FAF] =	sst s3  }
0xc: {  	[smem:$0x3FB0] =	sst s4  }
0xd: {  	[smem:$0x3FB1] =	sst s5  }
0xe: {  	[smem:$0x3FB2] =	sst s6  }
0xf: {  	[smem:$0x3FB3] =	sst s7  }
0x10: {  	[smem:$0x3FB4] =	sst s8  }
0x11: {  	[smem:$0x3FB5] =	sst s9;
	s0 =	simm.s32 @!p0 $0x0  }
0x12: {  	s1 =	sld [smem:$0x3F9B];
	s0 =	simm.s32 @p0 $0x1  }
0x13: {  	[smem:$0x3FB6] =	sst s0;
	s0 =	simm.s32 @!p1 $0x0  }
0x14: {  	s2 =	sld [smem:$0x3F9A];
	s0 =	simm.s32 @p1 $0x1  }
0x15: {  	[smem:$0x3FB7] =	sst s0;
	s0 =	simm.s32 @!p2 $0x0  }
0x16: {  	s3 =	sld [smem:$0x3FDB];
	s0 =	simm.s32 @p2 $0x1  }
0x17: {  	s4 =	simm.s32 $0x1BF5;
	[smem:$0x3FB9] =	sst s0  }
0x18: {  	s0 =	sld [smem:$0x3F9C];
	_ =	swait.ge [sflag:s4], $0x0  }
0x19: {  	s7 =	sld [smem:$0x3F9D]  }
0x1a: {  	s8 =	sadd.s32 $0xFFFFE003, lr  }
0x1b: {  	s9 =	sadd.s32 $0xFFFFFEF7, lr;
	s5 =	simm.s32 $0xFFFFFFFF;
	p2 =	slt.u32 s8, $0xFFFFF086  }
0x1c: {  	p1 =	slt.u32 s9, $0xF7A;
	s5 =	simm.s32 @!p2 $0x0  }
0x1d: {  	s5 =	simm.s32 @p1 $0x1;
	p0 =	seq.s32 s7, s2  }
0x1e: {  	s7 =	smul.u32 @!p0 $0xF7A, s2;
	p2 =	seq.s32 @!p0 s5, $0x0  }
0x1f: {  	s9 =	smul.u32 $0xF7A, s1;
	s8 =	simm.s32 @!p0 $0x1BF5;
	p2 =	por !p2, p0  }
0x20: {  	[sflag:s8] =	ssyncset.s32 @!p0 $0xFFFFF086;
	s6 =	sadd.s32 @!p0 s3, s7;
	s7 =	simm.s32 @!p0 $0x108  }
0x21: {  	s3 =	sadd.s32 s3, s9;
	s6 =	sadd.s32 @!p0 $0x88, s6;
	s7 =	simm.s32 @p2 $0x1082  }
0x22: {  	[simem:s7], [sflag:s8] =	dma.local @!p0 [hbm:s6], $0xF7A  }
0x23: {  	s9 =	sor.u32 $0xD0000000, s2;
	s6 =	simm.s32 $0x108;
	_ =	swait.ge @!p0 [sflag:s8], $0x0  }
0x24: {  	s3 =	sadd.s32 $0x88, s3;
	s6 =	simm.s32 @!p1 $0x1082;
	[sflag:s4] =	ssyncset.s32 $0xFFFFF086  }
0x25: {  	[simem:s6], [sflag:s4] =	dma.local [hbm:s3], $0xF7A  }
0x26: {  	[smem:$0x3F9D] =	sst s1;
	(tag) =	ssettag s2;
	_ =	strace s9  }
0x27: {  	s1 =	sld [smem:$0x3FAD]  }
0x28: {  	s2 =	sld [smem:$0x3FAE]  }
0x29: {  	s4 =	sld [smem:$0x3FB0]  }
0x2a: {  	p0 =	seq.s32 s5, $0x0;
	s5 =	sld [smem:$0x3FB1]  }
0x2b: {  	s6 =	sld [smem:$0x3FB2]  }
0x2c: {  	s7 =	sld [smem:$0x3FB3]  }
0x2d: {  	s3 =	simm.s32 $0x108;
	s8 =	sld [smem:$0x3FB4]  }
0x2e: {  	s3 =	simm.s32 @!p0 $0x1082;
	s9 =	sld [smem:$0x3FB5]  }
0x2f: {  	lr =	sadd.s32 s0, s3;
	s0 =	sld [smem:$0x3FAC]  }
0x30: {  	s3 =	sld [smem:$0x3FAF]  }
0x31: {  	[smem:$0x3FB8] =	sst s10  }
0x32: {  	s10 =	sld [smem:$0x3FB6];
	_ =	sdelay $0x3  }
0x33: {  	p0 =	seq.s32 s10, $0x1;
	s10 =	sld [smem:$0x3FB8];
	_ =	sdelay $0x3  }
0x34: {  	[smem:$0x3FB8] =	sst s10  }
0x35: {  	s10 =	sld [smem:$0x3FB7];
	_ =	sdelay $0x3  }
0x36: {  	p1 =	seq.s32 s10, $0x1;
	s10 =	sld [smem:$0x3FB8];
	_ =	sdelay $0x3  }
0x37: {  	[smem:$0x3FB8] =	sst s10  }
0x38: {  	s10 =	sld [smem:$0x3FB9]  }
0x39: {  	_ = 	snop;
	(pc) =	sbr.ind lr, $3  }
0x3a: {  	_ = 	snop  }
0x3b: {  	_ = 	snop  }
0x3c: {  	p2 =	seq.s32 s10, $0x1;
	s10 =	sld [smem:$0x3FB8]  }
0x3d: {  	_ =	shalt  }
0x3e: {  	_ =	shalt  }
0x3f: {  	_ =	shalt  }
0x40: {  	_ =	shalt  }
0x41: {  	_ =	shalt  }
0x42: {  	_ =	shalt  }
0x43: {  	_ =	shalt  }
0x44: {  	_ =	shalt  }
0x45: {  	_ =	shalt  }
0x46: {  	_ =	shalt  }
0x47: {  	_ =	shalt  }
0x48: {  	_ =	shalt  }
0x49: {  	_ =	shalt  }
0x4a: {  	_ =	shalt  }
0x4b: {  	_ =	shalt  }
0x4c: {  	_ =	shalt  }
0x4d: {  	_ =	shalt  }
0x4e: {  	_ =	shalt  }
0x4f: {  	_ =	shalt  }
0x50: {  	_ =	shalt  }
0x51: {  	_ =	shalt  }
0x52: {  	_ =	shalt  }
0x53: {  	_ =	shalt  }
0x54: {  	_ =	shalt  }
0x55: {  	_ =	shalt  }
0x56: {  	_ =	shalt  }
0x57: {  	_ =	shalt  }
0x58: {  	_ =	shalt  }
0x59: {  	_ =	shalt  }
0x5a: {  	_ =	shalt  }
0x5b: {  	_ =	shalt  }
0x5c: {  	_ =	shalt  }
0x5d: {  	_ =	shalt  }
0x5e: {  	_ =	shalt  }
0x5f: {  	_ =	shalt  }
0x60: {  	_ =	shalt  }
0x61: {  	_ =	shalt  }
0x62: {  	_ =	shalt  }
0x63: {  	_ =	shalt  }
0x64: {  	_ =	shalt  }
0x65: {  	_ =	shalt  }
0x66: {  	_ =	shalt  }
0x67: {  	_ =	shalt  }
0x68: {  	_ =	shalt  }
0x69: {  	_ =	shalt  }
0x6a: {  	_ =	shalt  }
0x6b: {  	_ =	shalt  }
0x6c: {  	_ =	shalt  }
0x6d: {  	_ =	shalt  }
0x6e: {  	_ =	shalt  }
0x6f: {  	_ =	shalt  }
0x70: {  	_ =	shalt  }
0x71: {  	_ =	shalt  }
0x72: {  	_ =	shalt  }
0x73: {  	_ =	shalt  }
0x74: {  	_ =	shalt  }
0x75: {  	_ =	shalt  }
0x76: {  	_ =	shalt  }
0x77: {  	_ =	shalt  }
0x78: {  	_ =	shalt  }
0x79: {  	_ =	shalt  }
0x7a: {  	_ =	shalt  }
0x7b: {  	_ =	shalt  }
0x7c: {  	_ =	shalt  }
0x7d: {  	_ =	shalt  }
0x7e: {  	_ =	shalt  }
0x7f: {  	_ =	shalt  }
0x80: {  	_ =	shalt  }
0x81: {  	_ =	shalt  }
0x82: {  	_ =	shalt  }
0x83: {  	_ =	shalt  }
0x84: {  	_ =	shalt  }
0x85: {  	_ =	shalt  }
0x86: {  	_ =	shalt  }
0x87: {  	_ =	shalt  }
.Lfunc_end0:
.L_simem_size_0:
called_computation.1_lowered:
.L_overlay_start_0:
0x88: {  	s2 =	sld [smem:$0x3FD9]  }
0x89: {  	s3 =	sld [smem:$0x3FFE];
	_ =	sdelay $0x1  }
0x8a: {  	s1 =	srdreg.scid  }
0x8b: {  	s0 =	sand.u32 $0x1, s1  }
0x8c: {  	s17 =	sshll.u32 s0, $0xA;
	s2 =	sadd.s32 s3, s2  }
0x8d: {  	s2 =	sadd.s32 s2, s17  }
0x8e: {  	[smem:$0x3FC4] =	sst s2  }
0x8f: {  	_ = 	snop  }
0x90: {  	s2 =	sld [smem:$0x3FD0];
	(tm) =	ssettm $0x1  }
0x91: {  	s18 =	sld [smem:$0x3FFB];
	_ =	sdelay $0x3  }
0x92: {  	_ =	strace s18  }
0x93: {  	s3 =	sld [smem:$0x3FFC];
	_ =	sdelay $0x3  }
0x94: {  	_ =	strace s3  }
0x95: {  	s3 =	sld [smem:$0x3FFD];
	_ =	sdelay $0x3  }
0x96: {  	_ =	strace s3  }
0x97: {  	_ =	strace $0x8FFFFFFF  }
0x98: {  	s19 =	sld [smem:$0x3FDB];
	_ =	sdelay $0x1  }
0x99: {  	s4 =	simm.s32 $_scs_section_size  }
0x9a: {  	s5 =	simm.s32 $_size__tile_overlayer_lowered;
	s6 =	simm.s32 $_tile_overlayer_lowered  }
0x9b: {  	s22 =	simm.s32 $0x1BFF;
	s21 =	sshll.u32 s6, $0x1;
	s3 =	sadd.s32 s4, s19  }
0x9c: {  	s7 =	simm.s32 $0x0;
	s20 =	sshll.u32 s5, $0x1;
	s5 =	sadd.s32 s21, s3  }
0x9d: {  	[timem:s7], [sflag:s22] =	dma.local [hbm:s5], s20  }
0x9e: {  	_ =	swait.ge [sflag:s22], s20  }
0x9f: {  	s4 =	ssub.s32 $0x0, s20;
	[sflag:s22] =	ssyncset.done $0x0  }
0xa0: {  	[sflag:s22] =	ssyncadd.s32 s4;
	_ =	sdelay $0x1  }
0xa1: {  	s23 =	simm.s32 $0x1B8B  }
0xa2: {  	_ =	swait.ge [sflag:s23], $0x1  }
0xa3: {  	[sflag:s23] =	ssyncset.done $0x0  }
0xa4: {  	s25 =	simm.s32 $0x1B8E;
	s24 =	sld [smem:$0x3FFE];
	[sflag:s23] =	ssyncadd.s32 $0xFFFFFFFF  }
0xa5: {  	s26 =	simm.s32 $execute0_lowered;
	[smem:$0x3FD2] =	sst s25  }
0xa6: {  	s5 =	sshll.u32 s26, $0x1;
	_ =	strace $0x80000049;
	[dreg:$0x1] =	wrdreg $0xFFFFFFFF  }
0xa7: {  	s28 =	simm.s32 $_size_execute0_lowered;
	s3 =	sadd.s32 s3, s5;
	[dreg:$0x0] =	wrdreg $0x0  }
0xa8: {  	s5 =	sshll.u32 s28, $0x1;
	[dreg:$0x2] =	wrdreg s3  }
0xa9: {  	[dreg:$0x3] =	wrdreg s5  }
0xaa: {  	[dreg:$0x4] =	wrdreg $0xC0  }
0xab: {  	_ =	task [dreg:s7], $0x5FFFF  }
0xac: {  	[dreg:$0x1] =	wrdreg $0xFFFFFFFF  }
0xad: {  	[dreg:$0x0] =	wrdreg $0x60  }
0xae: {  	[dreg:$0x2] =	wrdreg s24  }
0xaf: {  	[dreg:$0x3] =	wrdreg s2  }
0xb0: {  	[dreg:$0x4] =	wrdreg $0xC8000  }
0xb1: {  	[dreg:$0x5] =	wrdreg $0x9  }
0xb2: {  	_ =	task.clear_ibuf [dreg:s7], $0x6FFFF;
	_ =	strace $0x90000049  }
0xb3: {  	s29 =	simm.s32 $0x9;
	_ =	strace $0x8000004B  }
0xb4: {  	_ =	swait.ge [sflag:s29], $0x1  }
0xb5: {  	[sflag:s29] =	ssyncadd.s32 $0xFFFFFFFF  }
0xb6: {  	_ =	strace $0x9000004B  }
0xb7: {  	_ =	sfence  }
0xb8: {  	s30 =	sld [smem:$0x0];
	_ =	sdelay $0x2  }
0xb9: {  	s31 =	sshll.u32 s1, $0xD;
	s1 =	sshrl.u32 s1, $0x2  }
0xba: {  	s3 =	sand.u32 $0x4000, s31;
	s1 =	sadd.s32 s1, s30  }
0xbb: {  	s0 =	sor.u32 s3, s0;
	s1 =	sshll.u32 s1, $0x11  }
0xbc: {  	s0 =	sor.u32 s1, s0  }
0xbd: {  	s0 =	sadd.s32 $0x8F2B, s0  }
0xbe: {  	[sflag:s0] =	ssyncadd.remote.s32 $0x1  }
0xbf: {  	_ =	sfence.sel $0xFFFF  }
0xc0: {  	[dreg:$0x0] =	wrdreg $0xFFFFFFFF;
	(pc) =	sbr.abs _section_cstart, $3  }
0xc1: {  	[dreg:$0x1] =	wrdreg $0xFFFFFFFF  }
0xc2: {  	_ =	task.clear_ibuf [dreg:s7], $0x2FFFF;
	_ =	strace $0x9FFFFFFF  }
0xc3: {  	(tm) =	ssettm $0x7FFFFFFF  }
tec
execute0_lowered:
.L_overlay_start_1:
0x0: {  	(tag) =	ssettag $0x1  }
0x1: {  	s0 =	rddreg [dreg:$0x0]  }
0x2: {  	s2 =	rddreg [dreg:$0x1]  }
0x3: {  	s1 =	rddreg [dreg:$0x2];
	s3 =	simm.s32 $0x0;
	s4 =	srdreg.scid  }
0x4: {  	s10 =	stileid.u32;
	s19 =	simm.s32 $0x4F00;
	s20 =	simm.s32 $0xBE00  }
0x5: {  	s21 =	simm.s32 $0x80;
	s22 =	simm.s32 $0x9E00;
	s23 =	simm.s32 $0x1  }
0x6: {  	s24 =	simm.s32 $0xAE00;
	s25 =	simm.s32 $0x2;
	s26 =	simm.s32 $0x3  }
0x7: {  	s30 =	simm.s32 $0x4;
	s31 =	simm.s32 $0x9D80;
	s6 =	smul.u32 $0x9E0, s10  }
0x8: {  	[smem:$0x7FF] =	sst s3;
	s16 =	sand.u32 $0x1, s4;
	s9 =	smul.u32 $0x14000, s10  }
0x9: {  	s4 =	sadd.s32 $0x1F600, s0;
	s5 =	sadd.s32 $0x15600, s0;
	s13 =	smul.u32 $0xA000, s10  }
0xa: {  	_ =	strace $0x8000004A;
	s7 =	ssub.s32 $0x2, s16;
	s14 =	smul.u32 $0xA0000, s16  }
0xb: {  	p0 =	seq.s32 s16, $0x1;
	s8 =	sshrl.u32 s7, $0x1;
	s0 =	sadd.s32 s6, s0  }
0xc: {  	s28 =	sshrl.u32 s9, $0x2;
	s29 =	sshrl.u32 s13, $0x1;
	s17 =	ssub.s32 s7, s8  }
0xd: {  	s6 =	sadd.s32 $0xB800, s0;
	s7 =	sadd.s32 $0x1000, s0;
	s0 =	sadd.s32 s28, s1  }
.Ltmp0:
0xe: {  	s8 =	sadd.s32 s29, s1;
	s15 =	sadd.s32 s13, s14;
	(pc) =	sbr.rel .LBB2_1-.Ltmp0, $4  }
0xf: {  	s9 =	sadd.s32 $0xA00, s0;
	s10 =	sadd.s32 $0x1400, s0;
	s11 =	sadd.s32 $0x1E00, s0  }
0x10: {  	s12 =	sadd.s32 $0x2800, s0;
	s13 =	sadd.s32 $0x3200, s0;
	s14 =	sadd.s32 $0x3C00, s0  }
0x11: {  	s18 =	sshrl.u32 s15, $0x4;
	s15 =	sadd.s32 $0x4600, s0;
	s17 =	smax.u32 s17, $0x1  }
0x12: {  	v0 =	vimm.bf16 $0.0e+00;
	s0 =	simm.s32 $0x0;
	s16 =	sadd.s32 s2, s18;
	s18 =	simm.s32 $0x5  }
.LBB2_10:
0x13: {  	[spmem:s1] =	stream.indirect.scatter.add.bf16 [tilespmem:s24], [sflag:$0x4], $0x20, s31, s21, $0xb8;
	[tilespmem:$0x11800] =	vst v63  }
0x14: {  	s2 =	stileid.u32;
	_ =	swait.ge [sflag:s30], $0x1000  }
0x15: {  	s28 =	sshrl.u32 s8, $0x3;
	s0 =	sadd.s32 $0x1, s0;
	[sflag:s30] =	ssyncset.done $0x0  }
0x16: {  	s2 =	sshll.u32 s2, $0x6;
	p1 =	sne.s32 s0, s17;
	[sflag:s30] =	ssyncadd.s32 $0xFFFFF000  }
.Ltmp1:
0x17: {  	s2 =	sor.u32 $0x1C05, s2;
	[bflag:$0x0] =	sbarrier.arrive $0xFFFF;
	(pc) =	sbr.rel @!p1 .LBB2_11-.Ltmp1, $4  }
0x18: {  	[hbm:s16], [sflag:s2] =	dma.local [spmem:s28], $0xA00  }
0x19: {  	_ =	swait.ge [sflag:s18], $0xA00  }
0x1a: {  	[sflag:s18] =	ssyncset.done $0x0  }
0x1b: {  	[sflag:s18] =	ssyncadd.s32 $0xFFFFF600  }
.LBB2_1:
0x1c: {  	[tilespmem:s3], [sflag:$0x5] =	stream.linear.gather [hbm4b:s6+s3], $0x4F00, $0x38;
	[tilespmem:$0x11800] =	vst v63  }
0x1d: {  	_ =	swait.ge [sflag:s18], $0x4F00  }
0x1e: {  	[sflag:s18] =	ssyncset.done $0x0  }
0x1f: {  	[sflag:s18] =	ssyncadd.s32 $0xFFFFB100  }
0x20: {  	[tilespmem:s19], [sflag:$0x5] =	stream.linear.gather [hbm4b:s7+s3], $0x4F00, $0x38;
	[tilespmem:$0x11800] =	vst v63  }
0x21: {  	_ =	swait.ge [sflag:s18], $0x4F00  }
0x22: {  	[sflag:s18] =	ssyncset.done $0x0  }
0x23: {  	s2 =	simm.s32 $0x80;
	s28 =	simm.s32 $0x0;
	[sflag:s18] =	ssyncadd.s32 $0xFFFFB100  }
.LBB2_2:
0x24: {  	p1 =	sne.s32 s2, $0x2780;
	[tilespmem:s28+$0xBE00] =	vst v0;
	s29 =	smov.u32 s2;
	s2 =	sadd.s32 $0x80, s2  }
.Ltmp2:
0x25: {  	[tilespmem:s28+$0xBE10] =	vst v0;
	(pc) =	sbr.rel @p1 .LBB2_2-.Ltmp2, $2  }
0x26: {  	_ =	sdelay $0x2  }
0x27: {  	s28 =	sshra.s32 s29, $0x2  }
0x28: {  	[tilespmem:s28+$0xBE00] =	vst v0  }
0x29: {  	[tilespmem:s28+$0xBE10] =	vst v0  }
0x2a: {  	[spmem:s8] =	stream.linear.scatter [tilespmem:s20], [sflag:$0x5], $0xA00, $0x38;
	[tilespmem:$0x11800] =	vst v63  }
0x2b: {  	_ =	swait.ge [sflag:s18], $0xA00  }
0x2c: {  	[sflag:s18] =	ssyncset.done $0x0  }
0x2d: {  	[sflag:s18] =	ssyncadd.s32 $0xFFFFF600  }
0x2e: {  	[spmem:s9] =	stream.linear.scatter [tilespmem:s20], [sflag:$0x5], $0xA00, $0x38;
	[tilespmem:$0x11800] =	vst v63  }
0x2f: {  	_ =	swait.ge [sflag:s18], $0xA00  }
0x30: {  	[sflag:s18] =	ssyncset.done $0x0  }
0x31: {  	[sflag:s18] =	ssyncadd.s32 $0xFFFFF600  }
0x32: {  	[spmem:s10] =	stream.linear.scatter [tilespmem:s20], [sflag:$0x5], $0xA00, $0x38;
	[tilespmem:$0x11800] =	vst v63  }
0x33: {  	_ =	swait.ge [sflag:s18], $0xA00  }
0x34: {  	[sflag:s18] =	ssyncset.done $0x0  }
0x35: {  	[sflag:s18] =	ssyncadd.s32 $0xFFFFF600  }
0x36: {  	[spmem:s11] =	stream.linear.scatter [tilespmem:s20], [sflag:$0x5], $0xA00, $0x38;
	[tilespmem:$0x11800] =	vst v63  }
0x37: {  	_ =	swait.ge [sflag:s18], $0xA00  }
0x38: {  	[sflag:s18] =	ssyncset.done $0x0  }
0x39: {  	[sflag:s18] =	ssyncadd.s32 $0xFFFFF600  }
0x3a: {  	[spmem:s12] =	stream.linear.scatter [tilespmem:s20], [sflag:$0x5], $0xA00, $0x38;
	[tilespmem:$0x11800] =	vst v63  }
0x3b: {  	_ =	swait.ge [sflag:s18], $0xA00  }
0x3c: {  	[sflag:s18] =	ssyncset.done $0x0  }
0x3d: {  	[sflag:s18] =	ssyncadd.s32 $0xFFFFF600  }
0x3e: {  	[spmem:s13] =	stream.linear.scatter [tilespmem:s20], [sflag:$0x5], $0xA00, $0x38;
	[tilespmem:$0x11800] =	vst v63  }
0x3f: {  	_ =	swait.ge [sflag:s18], $0xA00  }
0x40: {  	[sflag:s18] =	ssyncset.done $0x0  }
0x41: {  	[sflag:s18] =	ssyncadd.s32 $0xFFFFF600  }
0x42: {  	[spmem:s14] =	stream.linear.scatter [tilespmem:s20], [sflag:$0x5], $0xA00, $0x38;
	[tilespmem:$0x11800] =	vst v63  }
0x43: {  	_ =	swait.ge [sflag:s18], $0xA00  }
0x44: {  	[sflag:s18] =	ssyncset.done $0x0  }
0x45: {  	[sflag:s18] =	ssyncadd.s32 $0xFFFFF600  }
0x46: {  	[spmem:s15] =	stream.linear.scatter [tilespmem:s20], [sflag:$0x5], $0xA00, $0x38;
	[tilespmem:$0x11800] =	vst v63  }
.Ltmp3:
0x47: {  	_ =	swait.ge [sflag:s18], $0xA00;
	(pc) =	sbr.rel @!p0 .LBB2_4-.Ltmp3, $4  }
0x48: {  	[sflag:s18] =	ssyncset.done $0x0  }
0x49: {  	[sflag:s18] =	ssyncadd.s32 $0xFFFFF600  }
0x4a: {  	[bflag:$0x0] =	sbarrier.arrive $0xFFFF  }
0x4b: {  	s2 =	simm.s32 $0x0  }
0x4c: {  	[tilespmem:s22], [sflag:$0x1] =	stream.indirect.gather [hbm4b:s5+s21], $0x20, s2, s21, $0xb8;
	[tilespmem:$0x11800] =	vst v63  }
0x4d: {  	_ =	swait.ge [sflag:s23], $0x1000  }
0x4e: {  	[sflag:s23] =	ssyncset.done $0x0  }
0x4f: {  	[sflag:s23] =	ssyncadd.s32 $0xFFFFF000  }
0x50: {  	[tilespmem:s24], [sflag:$0x2] =	stream.indirect.gather [hbm4b:s5+s21], $0x20, s21, s21, $0xb8;
	[tilespmem:$0x11800] =	vst v63  }
0x51: {  	_ = 	snop  }
0x52: {  	[spmem:s1] =	stream.indirect.scatter.add.bf16 [tilespmem:s22], [sflag:$0x3], $0x20, s19, s21, $0xb8;
	[tilespmem:$0x11800] =	vst v63  }
0x53: {  	_ =	swait.ge [sflag:s25], $0x1000  }
0x54: {  	[sflag:s25] =	ssyncset.done $0x0  }
0x55: {  	[sflag:s25] =	ssyncadd.s32 $0xFFFFF000  }
0x56: {  	_ =	swait.ge [sflag:s26], $0x1000  }
0x57: {  	[sflag:s26] =	ssyncset.done $0x0  }
0x58: {  	s28 =	simm.s32 $0x100;
	[sflag:s26] =	ssyncadd.s32 $0xFFFFF000  }
0x59: {  	[tilespmem:s22], [sflag:$0x1] =	stream.indirect.gather [hbm4b:s5+s21], $0x20, s28, s21, $0xb8;
	[tilespmem:$0x11800] =	vst v63  }
0x5a: {  	s29 =	simm.s32 $0x4F80  }
0x5b: {  	[spmem:s1] =	stream.indirect.scatter.add.bf16 [tilespmem:s24], [sflag:$0x4], $0x20, s29, s21, $0xb8;
	[tilespmem:$0x11800] =	vst v63  }
.LBB2_8:
0x5c: {  	_ =	swait.ge [sflag:s23], $0x1000  }
0x5d: {  	[sflag:s23] =	ssyncset.done $0x0  }
0x5e: {  	[sflag:s23] =	ssyncadd.s32 $0xFFFFF000  }
0x5f: {  	_ =	swait.ge [sflag:s30], $0x1000  }
0x60: {  	s28 =	sshra.s32 s2, $0x2;
	[sflag:s30] =	ssyncset.done $0x0  }
0x61: {  	s29 =	sadd.s32 $0x180, s28;
	[sflag:s30] =	ssyncadd.s32 $0xFFFFF000  }
0x62: {  	[tilespmem:s24], [sflag:$0x2] =	stream.indirect.gather [hbm4b:s5+s21], $0x20, s29, s21, $0xb8;
	[tilespmem:$0x11800] =	vst v63  }
0x63: {  	s29 =	sadd.s32 $0x5000, s28  }
0x64: {  	[spmem:s1] =	stream.indirect.scatter.add.bf16 [tilespmem:s22], [sflag:$0x3], $0x20, s29, s21, $0xb8;
	[tilespmem:$0x11800] =	vst v63  }
0x65: {  	p1 =	seq.s32 s2, $0x13400;
	_ =	swait.ge [sflag:s25], $0x1000  }
.Ltmp4:
0x66: {  	[sflag:s25] =	ssyncset.done $0x0;
	(pc) =	sbr.rel @p1 .LBB2_10-.Ltmp4, $4  }
0x67: {  	[sflag:s25] =	ssyncadd.s32 $0xFFFFF000  }
0x68: {  	_ =	swait.ge [sflag:s26], $0x1000  }
0x69: {  	[sflag:s26] =	ssyncset.done $0x0  }
0x6a: {  	[sflag:s26] =	ssyncadd.s32 $0xFFFFF000  }
.Ltmp5:
0x6b: {  	(pc) =	sbr.rel .LBB2_8-.Ltmp5, $4  }
0x6c: {  	s29 =	sadd.s32 $0x200, s28  }
0x6d: {  	[tilespmem:s22], [sflag:$0x1] =	stream.indirect.gather [hbm4b:s5+s21], $0x20, s29, s21, $0xb8;
	[tilespmem:$0x11800] =	vst v63  }
0x6e: {  	s2 =	sadd.s32 $0x400, s2;
	s29 =	sadd.s32 $0x5080, s28  }
0x6f: {  	[spmem:s1] =	stream.indirect.scatter.add.bf16 [tilespmem:s24], [sflag:$0x4], $0x20, s29, s21, $0xb8;
	[tilespmem:$0x11800] =	vst v63  }
.LBB2_4:
0x70: {  	[tilespmem:s22], [sflag:$0x1] =	stream.indirect.gather [hbm4b:s4+s21], $0x20, s2, s21, $0xb8;
	[tilespmem:$0x11800] =	vst v63  }
0x71: {  	_ =	swait.ge [sflag:s23], $0x1000  }
0x72: {  	[sflag:s23] =	ssyncset.done $0x0  }
0x73: {  	[sflag:s23] =	ssyncadd.s32 $0xFFFFF000  }
0x74: {  	[tilespmem:s24], [sflag:$0x2] =	stream.indirect.gather [hbm4b:s4+s21], $0x20, s21, s21, $0xb8;
	[tilespmem:$0x11800] =	vst v63  }
0x75: {  	_ = 	snop  }
0x76: {  	[spmem:s1] =	stream.indirect.scatter.add.bf16 [tilespmem:s22], [sflag:$0x3], $0x20, s19, s21, $0xb8;
	[tilespmem:$0x11800] =	vst v63  }
0x77: {  	_ =	swait.ge [sflag:s25], $0x1000  }
0x78: {  	[sflag:s25] =	ssyncset.done $0x0  }
0x79: {  	[sflag:s25] =	ssyncadd.s32 $0xFFFFF000  }
0x7a: {  	_ =	swait.ge [sflag:s26], $0x1000  }
0x7b: {  	[sflag:s26] =	ssyncset.done $0x0  }
0x7c: {  	s28 =	simm.s32 $0x100;
	[sflag:s26] =	ssyncadd.s32 $0xFFFFF000  }
0x7d: {  	[tilespmem:s22], [sflag:$0x1] =	stream.indirect.gather [hbm4b:s4+s21], $0x20, s28, s21, $0xb8;
	[tilespmem:$0x11800] =	vst v63  }
0x7e: {  	s29 =	simm.s32 $0x4F80  }
0x7f: {  	[spmem:s1] =	stream.indirect.scatter.add.bf16 [tilespmem:s24], [sflag:$0x4], $0x20, s29, s21, $0xb8;
	[tilespmem:$0x11800] =	vst v63  }
.LBB2_5:
0x80: {  	_ =	swait.ge [sflag:s23], $0x1000  }
0x81: {  	[sflag:s23] =	ssyncset.done $0x0  }
0x82: {  	[sflag:s23] =	ssyncadd.s32 $0xFFFFF000  }
0x83: {  	_ =	swait.ge [sflag:s30], $0x1000  }
0x84: {  	s28 =	sshra.s32 s2, $0x2;
	[sflag:s30] =	ssyncset.done $0x0  }
0x85: {  	s29 =	sadd.s32 $0x180, s28;
	[sflag:s30] =	ssyncadd.s32 $0xFFFFF000  }
0x86: {  	[tilespmem:s24], [sflag:$0x2] =	stream.indirect.gather [hbm4b:s4+s21], $0x20, s29, s21, $0xb8;
	[tilespmem:$0x11800] =	vst v63  }
0x87: {  	s29 =	sadd.s32 $0x5000, s28  }
0x88: {  	[spmem:s1] =	stream.indirect.scatter.add.bf16 [tilespmem:s22], [sflag:$0x3], $0x20, s29, s21, $0xb8;
	[tilespmem:$0x11800] =	vst v63  }
0x89: {  	p1 =	seq.s32 s2, $0x13400;
	_ =	swait.ge [sflag:s25], $0x1000  }
.Ltmp6:
0x8a: {  	[sflag:s25] =	ssyncset.done $0x0;
	(pc) =	sbr.rel @p1 .LBB2_10-.Ltmp6, $4  }
0x8b: {  	[sflag:s25] =	ssyncadd.s32 $0xFFFFF000  }
0x8c: {  	_ =	swait.ge [sflag:s26], $0x1000  }
0x8d: {  	[sflag:s26] =	ssyncset.done $0x0  }
0x8e: {  	[sflag:s26] =	ssyncadd.s32 $0xFFFFF000  }
.Ltmp7:
0x8f: {  	(pc) =	sbr.rel .LBB2_5-.Ltmp7, $4  }
0x90: {  	s29 =	sadd.s32 $0x200, s28  }
0x91: {  	[tilespmem:s22], [sflag:$0x1] =	stream.indirect.gather [hbm4b:s4+s21], $0x20, s29, s21, $0xb8;
	[tilespmem:$0x11800] =	vst v63  }
0x92: {  	s2 =	sadd.s32 $0x400, s2;
	s29 =	sadd.s32 $0x5080, s28  }
0x93: {  	[spmem:s1] =	stream.indirect.scatter.add.bf16 [tilespmem:s24], [sflag:$0x4], $0x20, s29, s21, $0xb8;
	[tilespmem:$0x11800] =	vst v63  }
.LBB2_11:
0x94: {  	_ =	sfence.sel $0x180000  }
0x95: {  	[bflag:$0x0] =	sbarrier.arrive $0xFFFF  }
0x96: {  	_ =	strace $0x9000004A  }
0x97: {  	s0 =	stileid.u32;
	[bflag:$0x2] =	sbarrier.arrive $0xFFFF  }
0x98: {  	p0 =	sne.s32 s0, $0x0;
	s0 =	rddreg [dreg:$0x3]  }
0x99: {  	s0 =	sadd.s32 @!p0 $0x100000, s0  }
0x9a: {  	[sflag:s0] =	ssyncadd.tile.s32 @!p0 $0x1;
	_ =	shalt  }
.Lfunc_end2:
_tile_overlayer_lowered:
.L_overlay_start_2:
0x9b: {  	(tag) =	ssettag $0x2  }
0x9c: {  	s0 =	rddreg [dreg:$0x0];
	s2 =	stileid.u32  }
0x9d: {  	s1 =	rddreg [dreg:$0x1];
	p0 =	sne.s32 s2, $0x0  }
0x9e: {  	s3 =	rddreg [dreg:$0x2];
	[bflag:$0x3] =	sbarrier.arrive $0xFFFF;
	s2 =	simm.s32 @!p0 $0x1C05  }
0x9f: {  	[timem:s3], [sflag:s2] =	dma.local @!p0 [hbm:s0], s1  }
0xa0: {  	s0 =	simm.s32 @!p0 $0x5  }
0xa1: {  	_ =	swait.ge @!p0 [sflag:s0], s1  }
0xa2: {  	s1 =	ssub.s32 @!p0 $0x0, s1;
	[sflag:s0] =	ssyncset.done @!p0 $0x0  }
0xa3: {  	[sflag:s0] =	ssyncadd.s32 @!p0 s1  }
0xa4: {  	[bflag:$0x3] =	sbarrier.arrive $0xFFFF  }
0xa5: {  	_ =	shalt  }

</sc_bundles>
